<compile_context>
chip_gen: v7x
topology: tpu7x:2x2x1
jax: 0.10.2.dev20260603
libtpu: 0.0.44.dev20260713+nightly
codegen_flags: <defaults>
</compile_context>

<pallas_src>
import jax
import jax.numpy as jnp
from jax import lax
from jax.experimental import pallas as pl
from jax.experimental.pallas import tpu as pltpu
from jax.experimental.pallas import tpu_sc as plsc

BB, SS, DD, FF, EE = 2, 2048, 1024, 1024, 64
TT = BB * SS
CAPACITY = 64
NSLOT = EE * CAPACITY
TBLK = 512
NTB = TT // TBLK
SCH = 512
NSC = NSLOT // SCH
FBLK = 256
NFB = FF // FBLK
NWRK = 32
GCH = 64


def _route_body(x_ref, wg_ref, dstc_ref, inv_ref, ssc_ref,
                counts_ref, inv_acc, occ_acc, ss_acc):
    i = pl.program_id(0)

    @pl.when(i == 0)
    def _init():
        counts_ref[...] = jnp.zeros_like(counts_ref)
        inv_acc[...] = jnp.zeros_like(inv_acc)
        occ_acc[...] = jnp.zeros_like(occ_acc)
        ss_acc[...] = jnp.zeros_like(ss_acc)

    logits = jnp.dot(x_ref[...], wg_ref[...],
                     preferred_element_type=jnp.float32)
    m = jnp.max(logits, axis=1, keepdims=True)
    sden = jnp.sum(jnp.exp(logits - m), axis=1, keepdims=True)
    score = 1.0 / sden
    e_iota = lax.broadcasted_iota(jnp.int32, (TBLK, EE), 1)
    cand = jnp.where(logits == m, e_iota, EE)
    idxc = jnp.min(cand, axis=1, keepdims=True)
    oh = (idxc == e_iota).astype(jnp.float32)
    r_io = lax.broadcasted_iota(jnp.int32, (TBLK, TBLK), 0)
    c_io = lax.broadcasted_iota(jnp.int32, (TBLK, TBLK), 1)
    tril = (r_io > c_io).astype(jnp.float32)
    within = jnp.dot(tril, oh, preferred_element_type=jnp.float32)
    cnt = counts_ref[...]
    posf = jnp.sum((within + cnt) * oh, axis=1, keepdims=True)
    counts_ref[...] = cnt + jnp.sum(oh, axis=0, keepdims=True)
    keep = posf < float(CAPACITY)
    dst = idxc * CAPACITY + posf.astype(jnp.int32)
    dstc = jnp.where(keep, dst, NSLOT)
    dstc_ref[...] = dstc
    seff = jnp.where(keep, score, 0.0)
    tids = (lax.broadcasted_iota(jnp.int32, (TBLK, 1), 0)
            + i * TBLK).astype(jnp.float32)
    inv_rows, occ_rows, ss_rows = [], [], []
    for s2 in range(NSC):
        slot_io = lax.broadcasted_iota(jnp.int32, (1, SCH), 1) + s2 * SCH
        msk = (dstc == slot_io).astype(jnp.float32)
        inv_rows.append(jnp.sum(msk * tids, axis=0, keepdims=True))
        occ_rows.append(jnp.sum(msk, axis=0, keepdims=True))
        ss_rows.append(jnp.sum(msk * seff, axis=0, keepdims=True))
    inv_acc[...] += jnp.concatenate(inv_rows, axis=0)
    occ_acc[...] += jnp.concatenate(occ_rows, axis=0)
    ss_acc[...] += jnp.concatenate(ss_rows, axis=0)
    inv_ref[...] = jnp.where(occ_acc[...] > 0, inv_acc[...], 0.0
                             ).astype(jnp.int32)
    ssc_ref[...] = ss_acc[...]


def _route(xf, wg):
    return pl.pallas_call(
        _route_body,
        grid=(NTB,),
        in_specs=[
            pl.BlockSpec((TBLK, DD), lambda i: (i, 0)),
            pl.BlockSpec((DD, EE), lambda i: (0, 0)),
        ],
        out_specs=[
            pl.BlockSpec((TBLK, 1), lambda i: (i, 0)),
            pl.BlockSpec((NSC, SCH), lambda i: (0, 0)),
            pl.BlockSpec((NSC, SCH), lambda i: (0, 0)),
        ],
        out_shape=[
            jax.ShapeDtypeStruct((TT, 1), jnp.int32),
            jax.ShapeDtypeStruct((NSC, SCH), jnp.int32),
            jax.ShapeDtypeStruct((NSC, SCH), jnp.float32),
        ],
        scratch_shapes=[
            pltpu.VMEM((1, EE), jnp.float32),
            pltpu.VMEM((NSC, SCH), jnp.float32),
            pltpu.VMEM((NSC, SCH), jnp.float32),
            pltpu.VMEM((NSC, SCH), jnp.float32),
        ],
    )(xf, wg)


def _ffn_body(disp_ref, w1_ref, b1_ref, w2_ref, b2_ref, ss_ref, o_ref,
              acc_ref):
    e = pl.program_id(0)
    f = pl.program_id(1)
    h = jnp.dot(disp_ref[...], w1_ref[0],
                preferred_element_type=jnp.float32) + b1_ref[0]
    h = jnp.maximum(h, 0.0)
    part = jnp.dot(h, w2_ref[0], preferred_element_type=jnp.float32)

    @pl.when(f == 0)
    def _first():
        acc_ref[...] = part

    @pl.when(f > 0)
    def _rest():
        acc_ref[...] += part

    @pl.when(f == NFB - 1)
    def _emit():
        scale = jnp.where(e < EE, ss_ref[...], 0.0)
        o_ref[...] = (acc_ref[...] + b2_ref[0]) * scale


def _ffn(disp, w1, b1, w2, b2, ssc):
    ec = lambda e: jnp.minimum(e, EE - 1)
    return pl.pallas_call(
        _ffn_body,
        grid=(EE + 1, NFB),
        in_specs=[
            pl.BlockSpec((CAPACITY, DD), lambda e, f: (ec(e), 0)),
            pl.BlockSpec((1, DD, FBLK), lambda e, f: (ec(e), 0, f)),
            pl.BlockSpec((1, 1, FBLK), lambda e, f: (ec(e), 0, f)),
            pl.BlockSpec((1, FBLK, DD), lambda e, f: (ec(e), f, 0)),
            pl.BlockSpec((1, 1, DD), lambda e, f: (ec(e), 0, 0)),
            pl.BlockSpec((CAPACITY, 1), lambda e, f: (ec(e), 0)),
        ],
        out_specs=pl.BlockSpec((CAPACITY, DD), lambda e, f: (e, 0)),
        out_shape=jax.ShapeDtypeStruct((NSLOT + CAPACITY, DD), jnp.float32),
        scratch_shapes=[pltpu.VMEM((CAPACITY, DD), jnp.float32)],
    )(disp, w1, b1.reshape(EE, 1, FF), w2, b2.reshape(EE, 1, DD), ssc)


def _gather_body(idx_hbm, src_hbm, out_hbm, idx_v, rows_v, sem):
    wid = lax.axis_index("s") * 2 + lax.axis_index("c")
    for cch in range(TT // NWRK // GCH):
        base = wid * (TT // NWRK) + cch * GCH
        pltpu.sync_copy(idx_hbm.at[pl.ds(base, GCH)], idx_v)
        pltpu.async_copy(src_hbm.at[idx_v], rows_v, sem).wait()
        pltpu.sync_copy(rows_v, out_hbm.at[pl.ds(base, GCH)])


def _row_gather(idx, src):
    mesh = plsc.VectorSubcoreMesh(core_axis_name="c", subcore_axis_name="s")
    return pl.kernel(
        _gather_body,
        out_type=jax.ShapeDtypeStruct((TT, DD), jnp.float32),
        mesh=mesh,
        scratch_types=[
            pltpu.VMEM((GCH,), jnp.int32),
            pltpu.VMEM((GCH, DD), jnp.float32),
            pltpu.SemaphoreType.DMA,
        ],
    )(idx, src)


def kernel(x, Wg, W1, b1, W2, b2):
    xf = x.reshape(TT, DD)
    dstc, inv, ssc = _route(xf, Wg)
    disp = _row_gather(inv.reshape(TT), xf)
    o = _ffn(disp, W1, b1, W2, b2, ssc.reshape(NSLOT, 1))
    y = _row_gather(dstc.reshape(TT), o)
    return y.reshape(BB, SS, DD)

# --- scband reference (transcript-rebuilt; emitter-appended) ---
"""Pipeline reference for scband-moelayer-31542239822189 (READ-ONLY COPY).

The authoritative reference and input builder live on the scoring server;
editing this copy changes nothing except your own understanding.
"""

import jax, jax.numpy as jnp
import numpy as np
import math

B, S, D, F, E, TOPK = 2, 2048, 1024, 1024, 64, 1
CAP = int(math.ceil(B * S * TOPK * 1.0 / E))  # capacity_factor=1.0 -> 64


def setup_inputs(seed: int = 0) -> dict:
    key = jax.random.key(seed)
    k0, k1, k2, k3 = jax.random.split(key, 4)
    x = jax.random.normal(k0, (B, S, D), dtype=jnp.float32)
    Wg = jax.random.normal(k1, (D, E), dtype=jnp.float32) * 0.02
    W1 = jax.random.normal(k2, (E, D, F), dtype=jnp.float32) * 0.02
    b1 = jnp.zeros((E, F), dtype=jnp.float32)
    W2 = jax.random.normal(k3, (E, F, D), dtype=jnp.float32) * 0.02
    b2 = jnp.zeros((E, D), dtype=jnp.float32)
    return {"x": x, "Wg": Wg, "W1": W1, "b1": b1, "W2": W2, "b2": b2}


def reference(x, Wg, W1, b1, W2, b2):
    T = B * S
    xf = x.reshape(T, D)
    # --- gate: top-1 routing (tutel 'top' gate, gshard style) ---
    logits = xf @ Wg                                  # [T, E]
    gates = jax.nn.softmax(logits, axis=-1)
    score, idx = jax.lax.top_k(gates, 1)              # [T,1]
    idx = idx[:, 0]
    score = score[:, 0]                               # top_k=1 -> normalize_gate is identity
    # --- location within each expert via cumsum over one-hot mask ---
    mask = jax.nn.one_hot(idx, E, dtype=jnp.int32)    # [T, E]
    pos_all = jnp.cumsum(mask, axis=0) - mask
    pos = jnp.sum(pos_all * mask, axis=1)             # [T]
    keep = pos < CAP                                  # capacity drop
    safe_pos = jnp.where(keep, pos, 0)
    keepf = keep.astype(xf.dtype)
    # --- dispatch: scatter tokens into [E, CAP, D] buffers (all-to-all equivalent) ---
    disp = jnp.zeros((E, CAP, D), dtype=xf.dtype).at[idx, safe_pos].add(xf * keepf[:, None])
    # --- per-expert FFN ---
    h = jax.nn.relu(jnp.einsum('ecd,edf->ecf', disp, W1) + b1[:, None, :])
    o = jnp.einsum('ecf,efd->ecd', h, W2) + b2[:, None, :]
    # --- combine: gather back and post-scale by gate score (is_postscore=True) ---
    y = o[idx, safe_pos] * (score * keepf)[:, None]
    return y.reshape(B, S, D)

if __name__ == "__main__":
    import jax
    _d = setup_inputs()
    print(jax.jit(kernel)(*tuple(_d.values())))

</pallas_src>

<mosaic_0001>
#map = affine_map<(d0, d1) -> (0)>
#map1 = affine_map<(d0, d1) -> (0, 0)>
module attributes {stable_mosaic.version = 14 : i64} {
  func.func @_gather_body(%arg0: i32, %arg1: i32, %arg2: memref<4096xi32, #tpu.memory_space<hbm>>, %arg3: memref<4096x1024xf32, #tpu.memory_space<hbm>>, %arg4: memref<4096x1024xf32, #tpu.memory_space<hbm>>, %arg5: memref<64xi32, #tpu.memory_space<vmem>>, %arg6: memref<64x1024xf32, #tpu.memory_space<vmem>>, %arg7: memref<!tpu.dma_semaphore, #tpu.memory_space<semaphore_mem>>) attributes {dimension_semantics = [#tpu.dimension_semantics<core_parallel>, #tpu.dimension_semantics<subcore_parallel>], iteration_bounds = array<i64: 2, 16>, scalar_prefetch = 0 : i64, scratch_operands = 3 : i64, tpu.core_type = #tpu.core_type<sc_vector_subcore>, window_params = [{transform_indices = #map}, {transform_indices = #map1}, {transform_indices = #map1}]} {
    %mul3A = arith.constant 2 : i32
    %mul3A_0 = arith.muli %arg1, %mul3A : i32
    %add3A = arith.addi %mul3A_0, %arg0 : i32
    %mul3A_1 = arith.constant 128 : i32
    %mul3A_2 = arith.muli %add3A, %mul3A_1 : i32
    %add3A_3 = arith.constant 0 : i32
    %add3A_4 = arith.addi %mul3A_2, %add3A_3 : i32
    "tpu.region"() ({
      %run_scoped3A = tpu.sem_alloc : memref<!tpu.dma_semaphore, #tpu.memory_space<semaphore_mem>>
      %dma_start3A_19 = tpu.memref_slice %arg2[%add3A_4] : memref<4096xi32, #tpu.memory_space<hbm>> -> memref<64xi32, #tpu.memory_space<hbm>>
      %dma_start3A_20 = tpu.memref_slice %arg2[%add3A_4] : memref<4096xi32, #tpu.memory_space<hbm>> -> memref<64xi32, #tpu.memory_space<hbm>>
      tpu.enqueue_dma source(%dma_start3A_20 : memref<64xi32, #tpu.memory_space<hbm>>) target(%arg5 : memref<64xi32, #tpu.memory_space<vmem>>) target_semaphore(%run_scoped3A : memref<!tpu.dma_semaphore, #tpu.memory_space<semaphore_mem>>)
      %dma_wait3A_21 = tpu.memref_slice %arg2[%add3A_4] : memref<4096xi32, #tpu.memory_space<hbm>> -> memref<64xi32, #tpu.memory_space<hbm>>
      %dma_wait3A_22 = tpu.memref_slice %arg2[%add3A_4] : memref<4096xi32, #tpu.memory_space<hbm>> -> memref<64xi32, #tpu.memory_space<hbm>>
      tpu.wait_dma2 semaphore(%run_scoped3A : memref<!tpu.dma_semaphore, #tpu.memory_space<semaphore_mem>>) src(%dma_wait3A_22 : memref<64xi32, #tpu.memory_space<hbm>>) dst(%arg5 : memref<64xi32, #tpu.memory_space<vmem>>)
      tpu.yield
    }) : () -> ()
    %dma_start3A = arith.constant 0 : i32
    %dma_start3A_5 = arith.constant 0 : i32
    %dma_start3A_6 = tpu.memref_slice %arg3[%dma_start3A, %dma_start3A_5] : memref<4096x1024xf32, #tpu.memory_space<hbm>> -> memref<4096x1024xf32, #tpu.memory_space<hbm>>
    tpu.enqueue_indirect_dma source(%dma_start3A_6 : memref<4096x1024xf32, #tpu.memory_space<hbm>>) target(%arg6 : memref<64x1024xf32, #tpu.memory_space<vmem>>) offsets(%arg5 : memref<64xi32, #tpu.memory_space<vmem>>) semaphore(%arg7 : memref<!tpu.dma_semaphore, #tpu.memory_space<semaphore_mem>>)
    %dma_wait3A = arith.constant 0 : i32
    %dma_wait3A_7 = arith.constant 0 : i32
    %dma_wait3A_8 = tpu.memref_slice %arg3[%dma_wait3A, %dma_wait3A_7] : memref<4096x1024xf32, #tpu.memory_space<hbm>> -> memref<4096x1024xf32, #tpu.memory_space<hbm>>
    tpu.wait_indirect_dma semaphore(%arg7 : memref<!tpu.dma_semaphore, #tpu.memory_space<semaphore_mem>>) src(%dma_wait3A_8 : memref<4096x1024xf32, #tpu.memory_space<hbm>>) dst(%arg6 : memref<64x1024xf32, #tpu.memory_space<vmem>>)
    "tpu.region"() ({
      %run_scoped3A = tpu.sem_alloc : memref<!tpu.dma_semaphore, #tpu.memory_space<semaphore_mem>>
      %dma_start3A_19 = arith.constant 0 : i32
      %dma_start3A_20 = tpu.memref_slice %arg4[%add3A_4, %dma_start3A_19] : memref<4096x1024xf32, #tpu.memory_space<hbm>> -> memref<64x1024xf32, #tpu.memory_space<hbm>>
      %dma_start3A_21 = arith.constant 0 : i32
      %dma_start3A_22 = tpu.memref_slice %arg4[%add3A_4, %dma_start3A_21] : memref<4096x1024xf32, #tpu.memory_space<hbm>> -> memref<64x1024xf32, #tpu.memory_space<hbm>>
      tpu.enqueue_dma source(%arg6 : memref<64x1024xf32, #tpu.memory_space<vmem>>) target(%dma_start3A_22 : memref<64x1024xf32, #tpu.memory_space<hbm>>) target_semaphore(%run_scoped3A : memref<!tpu.dma_semaphore, #tpu.memory_space<semaphore_mem>>)
      %dma_wait3A_23 = arith.constant 0 : i32
      %dma_wait3A_24 = tpu.memref_slice %arg4[%add3A_4, %dma_wait3A_23] : memref<4096x1024xf32, #tpu.memory_space<hbm>> -> memref<64x1024xf32, #tpu.memory_space<hbm>>
      %dma_wait3A_25 = arith.constant 0 : i32
      %dma_wait3A_26 = tpu.memref_slice %arg4[%add3A_4, %dma_wait3A_25] : memref<4096x1024xf32, #tpu.memory_space<hbm>> -> memref<64x1024xf32, #tpu.memory_space<hbm>>
      tpu.wait_dma2 semaphore(%run_scoped3A : memref<!tpu.dma_semaphore, #tpu.memory_space<semaphore_mem>>) src(%arg6 : memref<64x1024xf32, #tpu.memory_space<vmem>>) dst(%dma_wait3A_26 : memref<64x1024xf32, #tpu.memory_space<hbm>>)
      tpu.yield
    }) : () -> ()
    %mul3A_9 = arith.constant 128 : i32
    %mul3A_10 = arith.muli %add3A, %mul3A_9 : i32
    %add3A_11 = arith.constant 64 : i32
    %add3A_12 = arith.addi %mul3A_10, %add3A_11 : i32
    "tpu.region"() ({
      %run_scoped3A = tpu.sem_alloc : memref<!tpu.dma_semaphore, #tpu.memory_space<semaphore_mem>>
      %dma_start3A_19 = tpu.memref_slice %arg2[%add3A_12] : memref<4096xi32, #tpu.memory_space<hbm>> -> memref<64xi32, #tpu.memory_space<hbm>>
      %dma_start3A_20 = tpu.memref_slice %arg2[%add3A_12] : memref<4096xi32, #tpu.memory_space<hbm>> -> memref<64xi32, #tpu.memory_space<hbm>>
      tpu.enqueue_dma source(%dma_start3A_20 : memref<64xi32, #tpu.memory_space<hbm>>) target(%arg5 : memref<64xi32, #tpu.memory_space<vmem>>) target_semaphore(%run_scoped3A : memref<!tpu.dma_semaphore, #tpu.memory_space<semaphore_mem>>)
      %dma_wait3A_21 = tpu.memref_slice %arg2[%add3A_12] : memref<4096xi32, #tpu.memory_space<hbm>> -> memref<64xi32, #tpu.memory_space<hbm>>
      %dma_wait3A_22 = tpu.memref_slice %arg2[%add3A_12] : memref<4096xi32, #tpu.memory_space<hbm>> -> memref<64xi32, #tpu.memory_space<hbm>>
      tpu.wait_dma2 semaphore(%run_scoped3A : memref<!tpu.dma_semaphore, #tpu.memory_space<semaphore_mem>>) src(%dma_wait3A_22 : memref<64xi32, #tpu.memory_space<hbm>>) dst(%arg5 : memref<64xi32, #tpu.memory_space<vmem>>)
      tpu.yield
    }) : () -> ()
    %dma_start3A_13 = arith.constant 0 : i32
    %dma_start3A_14 = arith.constant 0 : i32
    %dma_start3A_15 = tpu.memref_slice %arg3[%dma_start3A_13, %dma_start3A_14] : memref<4096x1024xf32, #tpu.memory_space<hbm>> -> memref<4096x1024xf32, #tpu.memory_space<hbm>>
    tpu.enqueue_indirect_dma source(%dma_start3A_15 : memref<4096x1024xf32, #tpu.memory_space<hbm>>) target(%arg6 : memref<64x1024xf32, #tpu.memory_space<vmem>>) offsets(%arg5 : memref<64xi32, #tpu.memory_space<vmem>>) semaphore(%arg7 : memref<!tpu.dma_semaphore, #tpu.memory_space<semaphore_mem>>)
    %dma_wait3A_16 = arith.constant 0 : i32
    %dma_wait3A_17 = arith.constant 0 : i32
    %dma_wait3A_18 = tpu.memref_slice %arg3[%dma_wait3A_16, %dma_wait3A_17] : memref<4096x1024xf32, #tpu.memory_space<hbm>> -> memref<4096x1024xf32, #tpu.memory_space<hbm>>
    tpu.wait_indirect_dma semaphore(%arg7 : memref<!tpu.dma_semaphore, #tpu.memory_space<semaphore_mem>>) src(%dma_wait3A_18 : memref<4096x1024xf32, #tpu.memory_space<hbm>>) dst(%arg6 : memref<64x1024xf32, #tpu.memory_space<vmem>>)
    "tpu.region"() ({
      %run_scoped3A = tpu.sem_alloc : memref<!tpu.dma_semaphore, #tpu.memory_space<semaphore_mem>>
      %dma_start3A_19 = arith.constant 0 : i32
      %dma_start3A_20 = tpu.memref_slice %arg4[%add3A_12, %dma_start3A_19] : memref<4096x1024xf32, #tpu.memory_space<hbm>> -> memref<64x1024xf32, #tpu.memory_space<hbm>>
      %dma_start3A_21 = arith.constant 0 : i32
      %dma_start3A_22 = tpu.memref_slice %arg4[%add3A_12, %dma_start3A_21] : memref<4096x1024xf32, #tpu.memory_space<hbm>> -> memref<64x1024xf32, #tpu.memory_space<hbm>>
      tpu.enqueue_dma source(%arg6 : memref<64x1024xf32, #tpu.memory_space<vmem>>) target(%dma_start3A_22 : memref<64x1024xf32, #tpu.memory_space<hbm>>) target_semaphore(%run_scoped3A : memref<!tpu.dma_semaphore, #tpu.memory_space<semaphore_mem>>)
      %dma_wait3A_23 = arith.constant 0 : i32
      %dma_wait3A_24 = tpu.memref_slice %arg4[%add3A_12, %dma_wait3A_23] : memref<4096x1024xf32, #tpu.memory_space<hbm>> -> memref<64x1024xf32, #tpu.memory_space<hbm>>
      %dma_wait3A_25 = arith.constant 0 : i32
      %dma_wait3A_26 = tpu.memref_slice %arg4[%add3A_12, %dma_wait3A_25] : memref<4096x1024xf32, #tpu.memory_space<hbm>> -> memref<64x1024xf32, #tpu.memory_space<hbm>>
      tpu.wait_dma2 semaphore(%run_scoped3A : memref<!tpu.dma_semaphore, #tpu.memory_space<semaphore_mem>>) src(%arg6 : memref<64x1024xf32, #tpu.memory_space<vmem>>) dst(%dma_wait3A_26 : memref<64x1024xf32, #tpu.memory_space<hbm>>)
      tpu.yield
    }) : () -> ()
    return
  }
}

#map = affine_map<(d0, d1) -> (0)>
#map1 = affine_map<(d0, d1) -> (0, 0)>
module attributes {stable_mosaic.version = 14 : i64} {
  func.func @_gather_body(%arg0: i32, %arg1: i32, %arg2: memref<4096xi32, #tpu.memory_space<hbm>>, %arg3: memref<4160x1024xf32, #tpu.memory_space<hbm>>, %arg4: memref<4096x1024xf32, #tpu.memory_space<hbm>>, %arg5: memref<64xi32, #tpu.memory_space<vmem>>, %arg6: memref<64x1024xf32, #tpu.memory_space<vmem>>, %arg7: memref<!tpu.dma_semaphore, #tpu.memory_space<semaphore_mem>>) attributes {dimension_semantics = [#tpu.dimension_semantics<core_parallel>, #tpu.dimension_semantics<subcore_parallel>], iteration_bounds = array<i64: 2, 16>, scalar_prefetch = 0 : i64, scratch_operands = 3 : i64, tpu.core_type = #tpu.core_type<sc_vector_subcore>, window_params = [{transform_indices = #map}, {transform_indices = #map1}, {transform_indices = #map1}]} {
    %mul3A = arith.constant 2 : i32
    %mul3A_0 = arith.muli %arg1, %mul3A : i32
    %add3A = arith.addi %mul3A_0, %arg0 : i32
    %mul3A_1 = arith.constant 128 : i32
    %mul3A_2 = arith.muli %add3A, %mul3A_1 : i32
    %add3A_3 = arith.constant 0 : i32
    %add3A_4 = arith.addi %mul3A_2, %add3A_3 : i32
    "tpu.region"() ({
      %run_scoped3A = tpu.sem_alloc : memref<!tpu.dma_semaphore, #tpu.memory_space<semaphore_mem>>
      %dma_start3A_19 = tpu.memref_slice %arg2[%add3A_4] : memref<4096xi32, #tpu.memory_space<hbm>> -> memref<64xi32, #tpu.memory_space<hbm>>
      %dma_start3A_20 = tpu.memref_slice %arg2[%add3A_4] : memref<4096xi32, #tpu.memory_space<hbm>> -> memref<64xi32, #tpu.memory_space<hbm>>
      tpu.enqueue_dma source(%dma_start3A_20 : memref<64xi32, #tpu.memory_space<hbm>>) target(%arg5 : memref<64xi32, #tpu.memory_space<vmem>>) target_semaphore(%run_scoped3A : memref<!tpu.dma_semaphore, #tpu.memory_space<semaphore_mem>>)
      %dma_wait3A_21 = tpu.memref_slice %arg2[%add3A_4] : memref<4096xi32, #tpu.memory_space<hbm>> -> memref<64xi32, #tpu.memory_space<hbm>>
      %dma_wait3A_22 = tpu.memref_slice %arg2[%add3A_4] : memref<4096xi32, #tpu.memory_space<hbm>> -> memref<64xi32, #tpu.memory_space<hbm>>
      tpu.wait_dma2 semaphore(%run_scoped3A : memref<!tpu.dma_semaphore, #tpu.memory_space<semaphore_mem>>) src(%dma_wait3A_22 : memref<64xi32, #tpu.memory_space<hbm>>) dst(%arg5 : memref<64xi32, #tpu.memory_space<vmem>>)
      tpu.yield
    }) : () -> ()
    %dma_start3A = arith.constant 0 : i32
    %dma_start3A_5 = arith.constant 0 : i32
    %dma_start3A_6 = tpu.memref_slice %arg3[%dma_start3A, %dma_start3A_5] : memref<4160x1024xf32, #tpu.memory_space<hbm>> -> memref<4160x1024xf32, #tpu.memory_space<hbm>>
    tpu.enqueue_indirect_dma source(%dma_start3A_6 : memref<4160x1024xf32, #tpu.memory_space<hbm>>) target(%arg6 : memref<64x1024xf32, #tpu.memory_space<vmem>>) offsets(%arg5 : memref<64xi32, #tpu.memory_space<vmem>>) semaphore(%arg7 : memref<!tpu.dma_semaphore, #tpu.memory_space<semaphore_mem>>)
    %dma_wait3A = arith.constant 0 : i32
    %dma_wait3A_7 = arith.constant 0 : i32
    %dma_wait3A_8 = tpu.memref_slice %arg3[%dma_wait3A, %dma_wait3A_7] : memref<4160x1024xf32, #tpu.memory_space<hbm>> -> memref<4160x1024xf32, #tpu.memory_space<hbm>>
    tpu.wait_indirect_dma semaphore(%arg7 : memref<!tpu.dma_semaphore, #tpu.memory_space<semaphore_mem>>) src(%dma_wait3A_8 : memref<4160x1024xf32, #tpu.memory_space<hbm>>) dst(%arg6 : memref<64x1024xf32, #tpu.memory_space<vmem>>)
    "tpu.region"() ({
      %run_scoped3A = tpu.sem_alloc : memref<!tpu.dma_semaphore, #tpu.memory_space<semaphore_mem>>
      %dma_start3A_19 = arith.constant 0 : i32
      %dma_start3A_20 = tpu.memref_slice %arg4[%add3A_4, %dma_start3A_19] : memref<4096x1024xf32, #tpu.memory_space<hbm>> -> memref<64x1024xf32, #tpu.memory_space<hbm>>
      %dma_start3A_21 = arith.constant 0 : i32
      %dma_start3A_22 = tpu.memref_slice %arg4[%add3A_4, %dma_start3A_21] : memref<4096x1024xf32, #tpu.memory_space<hbm>> -> memref<64x1024xf32, #tpu.memory_space<hbm>>
      tpu.enqueue_dma source(%arg6 : memref<64x1024xf32, #tpu.memory_space<vmem>>) target(%dma_start3A_22 : memref<64x1024xf32, #tpu.memory_space<hbm>>) target_semaphore(%run_scoped3A : memref<!tpu.dma_semaphore, #tpu.memory_space<semaphore_mem>>)
      %dma_wait3A_23 = arith.constant 0 : i32
      %dma_wait3A_24 = tpu.memref_slice %arg4[%add3A_4, %dma_wait3A_23] : memref<4096x1024xf32, #tpu.memory_space<hbm>> -> memref<64x1024xf32, #tpu.memory_space<hbm>>
      %dma_wait3A_25 = arith.constant 0 : i32
      %dma_wait3A_26 = tpu.memref_slice %arg4[%add3A_4, %dma_wait3A_25] : memref<4096x1024xf32, #tpu.memory_space<hbm>> -> memref<64x1024xf32, #tpu.memory_space<hbm>>
      tpu.wait_dma2 semaphore(%run_scoped3A : memref<!tpu.dma_semaphore, #tpu.memory_space<semaphore_mem>>) src(%arg6 : memref<64x1024xf32, #tpu.memory_space<vmem>>) dst(%dma_wait3A_26 : memref<64x1024xf32, #tpu.memory_space<hbm>>)
      tpu.yield
    }) : () -> ()
    %mul3A_9 = arith.constant 128 : i32
    %mul3A_10 = arith.muli %add3A, %mul3A_9 : i32
    %add3A_11 = arith.constant 64 : i32
    %add3A_12 = arith.addi %mul3A_10, %add3A_11 : i32
    "tpu.region"() ({
      %run_scoped3A = tpu.sem_alloc : memref<!tpu.dma_semaphore, #tpu.memory_space<semaphore_mem>>
      %dma_start3A_19 = tpu.memref_slice %arg2[%add3A_12] : memref<4096xi32, #tpu.memory_space<hbm>> -> memref<64xi32, #tpu.memory_space<hbm>>
      %dma_start3A_20 = tpu.memref_slice %arg2[%add3A_12] : memref<4096xi32, #tpu.memory_space<hbm>> -> memref<64xi32, #tpu.memory_space<hbm>>
      tpu.enqueue_dma source(%dma_start3A_20 : memref<64xi32, #tpu.memory_space<hbm>>) target(%arg5 : memref<64xi32, #tpu.memory_space<vmem>>) target_semaphore(%run_scoped3A : memref<!tpu.dma_semaphore, #tpu.memory_space<semaphore_mem>>)
      %dma_wait3A_21 = tpu.memref_slice %arg2[%add3A_12] : memref<4096xi32, #tpu.memory_space<hbm>> -> memref<64xi32, #tpu.memory_space<hbm>>
      %dma_wait3A_22 = tpu.memref_slice %arg2[%add3A_12] : memref<4096xi32, #tpu.memory_space<hbm>> -> memref<64xi32, #tpu.memory_space<hbm>>
      tpu.wait_dma2 semaphore(%run_scoped3A : memref<!tpu.dma_semaphore, #tpu.memory_space<semaphore_mem>>) src(%dma_wait3A_22 : memref<64xi32, #tpu.memory_space<hbm>>) dst(%arg5 : memref<64xi32, #tpu.memory_space<vmem>>)
      tpu.yield
    }) : () -> ()
    %dma_start3A_13 = arith.constant 0 : i32
    %dma_start3A_14 = arith.constant 0 : i32
    %dma_start3A_15 = tpu.memref_slice %arg3[%dma_start3A_13, %dma_start3A_14] : memref<4160x1024xf32, #tpu.memory_space<hbm>> -> memref<4160x1024xf32, #tpu.memory_space<hbm>>
    tpu.enqueue_indirect_dma source(%dma_start3A_15 : memref<4160x1024xf32, #tpu.memory_space<hbm>>) target(%arg6 : memref<64x1024xf32, #tpu.memory_space<vmem>>) offsets(%arg5 : memref<64xi32, #tpu.memory_space<vmem>>) semaphore(%arg7 : memref<!tpu.dma_semaphore, #tpu.memory_space<semaphore_mem>>)
    %dma_wait3A_16 = arith.constant 0 : i32
    %dma_wait3A_17 = arith.constant 0 : i32
    %dma_wait3A_18 = tpu.memref_slice %arg3[%dma_wait3A_16, %dma_wait3A_17] : memref<4160x1024xf32, #tpu.memory_space<hbm>> -> memref<4160x1024xf32, #tpu.memory_space<hbm>>
    tpu.wait_indirect_dma semaphore(%arg7 : memref<!tpu.dma_semaphore, #tpu.memory_space<semaphore_mem>>) src(%dma_wait3A_18 : memref<4160x1024xf32, #tpu.memory_space<hbm>>) dst(%arg6 : memref<64x1024xf32, #tpu.memory_space<vmem>>)
    "tpu.region"() ({
      %run_scoped3A = tpu.sem_alloc : memref<!tpu.dma_semaphore, #tpu.memory_space<semaphore_mem>>
      %dma_start3A_19 = arith.constant 0 : i32
      %dma_start3A_20 = tpu.memref_slice %arg4[%add3A_12, %dma_start3A_19] : memref<4096x1024xf32, #tpu.memory_space<hbm>> -> memref<64x1024xf32, #tpu.memory_space<hbm>>
      %dma_start3A_21 = arith.constant 0 : i32
      %dma_start3A_22 = tpu.memref_slice %arg4[%add3A_12, %dma_start3A_21] : memref<4096x1024xf32, #tpu.memory_space<hbm>> -> memref<64x1024xf32, #tpu.memory_space<hbm>>
      tpu.enqueue_dma source(%arg6 : memref<64x1024xf32, #tpu.memory_space<vmem>>) target(%dma_start3A_22 : memref<64x1024xf32, #tpu.memory_space<hbm>>) target_semaphore(%run_scoped3A : memref<!tpu.dma_semaphore, #tpu.memory_space<semaphore_mem>>)
      %dma_wait3A_23 = arith.constant 0 : i32
      %dma_wait3A_24 = tpu.memref_slice %arg4[%add3A_12, %dma_wait3A_23] : memref<4096x1024xf32, #tpu.memory_space<hbm>> -> memref<64x1024xf32, #tpu.memory_space<hbm>>
      %dma_wait3A_25 = arith.constant 0 : i32
      %dma_wait3A_26 = tpu.memref_slice %arg4[%add3A_12, %dma_wait3A_25] : memref<4096x1024xf32, #tpu.memory_space<hbm>> -> memref<64x1024xf32, #tpu.memory_space<hbm>>
      tpu.wait_dma2 semaphore(%run_scoped3A : memref<!tpu.dma_semaphore, #tpu.memory_space<semaphore_mem>>) src(%arg6 : memref<64x1024xf32, #tpu.memory_space<vmem>>) dst(%dma_wait3A_26 : memref<64x1024xf32, #tpu.memory_space<hbm>>)
      tpu.yield
    }) : () -> ()
    return
  }
}

module attributes {stable_mosaic.version = 14 : i64} {
  func.func @_route_body(%arg0: i32, %arg1: memref<512x1024xf32, #tpu.memory_space<vmem>>, %arg2: memref<1024x64xf32, #tpu.memory_space<vmem>>, %arg3: memref<512x1xi32, #tpu.memory_space<vmem>>, %arg4: memref<8x512xi32, #tpu.memory_space<vmem>>, %arg5: memref<8x512xf32, #tpu.memory_space<vmem>>, %arg6: memref<1x64xf32, #tpu.memory_space<vmem>>, %arg7: memref<8x512xf32, #tpu.memory_space<vmem>>, %arg8: memref<8x512xf32, #tpu.memory_space<vmem>>, %arg9: memref<8x512xf32, #tpu.memory_space<vmem>>) attributes {dimension_semantics = [#tpu.dimension_semantics<arbitrary>], iteration_bounds = array<i64: 8>, scalar_prefetch = 0 : i64, scratch_operands = 4 : i64, tpu.core_type = #tpu.core_type<tc>, window_params = [{transform_indices = @transform_0, window_bounds = array<i64: 512, 1024>}, {pipeline_mode = #tpu.pipeline_mode<synchronous>, transform_indices = @transform_1, window_bounds = array<i64: 1024, 64>}, {transform_indices = @transform_2, window_bounds = array<i64: 512, 1>}, {pipeline_mode = #tpu.pipeline_mode<synchronous>, transform_indices = @transform_3, window_bounds = array<i64: 8, 512>}, {pipeline_mode = #tpu.pipeline_mode<synchronous>, transform_indices = @transform_4, window_bounds = array<i64: 8, 512>}]} {
    %eq3A = arith.constant 0 : i32
    %eq3A_0 = arith.cmpi eq, %arg0, %eq3A : i32
    %convert_element_type3A = arith.extui %eq3A_0 : i1 to i32
    %cond3A = arith.constant 0 : i32
    %cond3A_1 = arith.cmpi ne, %convert_element_type3A, %cond3A : i32
    scf.if %cond3A_1 {
      %broadcast_in_dim3A_285 = arith.constant 0.000000e+00 : f32
      %broadcast_in_dim3A_286 = vector.broadcast %broadcast_in_dim3A_285 : f32 to vector<1x64xf32>
      %swap3A_287 = arith.constant 0 : index
      %swap3A_288 = arith.constant 0 : index
      %swap3A_289 = vector.load %arg6[%swap3A_287, %swap3A_288] : memref<1x64xf32, #tpu.memory_space<vmem>>, vector<1x64xf32>
      tpu.vector_store %arg6[%swap3A_287, %swap3A_288], %broadcast_in_dim3A_286 {strides = array<i32>} : memref<1x64xf32, #tpu.memory_space<vmem>>, vector<1x64xf32>,
      %broadcast_in_dim3A_290 = arith.constant 0.000000e+00 : f32
      %broadcast_in_dim3A_291 = vector.broadcast %broadcast_in_dim3A_290 : f32 to vector<8x512xf32>
      %swap3A_292 = arith.constant 0 : index
      %swap3A_293 = arith.constant 0 : index
      %swap3A_294 = vector.load %arg7[%swap3A_292, %swap3A_293] : memref<8x512xf32, #tpu.memory_space<vmem>>, vector<8x512xf32>
      tpu.vector_store %arg7[%swap3A_292, %swap3A_293], %broadcast_in_dim3A_291 {strides = array<i32>} : memref<8x512xf32, #tpu.memory_space<vmem>>, vector<8x512xf32>,
      %broadcast_in_dim3A_295 = arith.constant 0.000000e+00 : f32
      %broadcast_in_dim3A_296 = vector.broadcast %broadcast_in_dim3A_295 : f32 to vector<8x512xf32>
      %swap3A_297 = arith.constant 0 : index
      %swap3A_298 = arith.constant 0 : index
      %swap3A_299 = vector.load %arg8[%swap3A_297, %swap3A_298] : memref<8x512xf32, #tpu.memory_space<vmem>>, vector<8x512xf32>
      tpu.vector_store %arg8[%swap3A_297, %swap3A_298], %broadcast_in_dim3A_296 {strides = array<i32>} : memref<8x512xf32, #tpu.memory_space<vmem>>, vector<8x512xf32>,
      %broadcast_in_dim3A_300 = arith.constant 0.000000e+00 : f32
      %broadcast_in_dim3A_301 = vector.broadcast %broadcast_in_dim3A_300 : f32 to vector<8x512xf32>
      %swap3A_302 = arith.constant 0 : index
      %swap3A_303 = arith.constant 0 : index
      %swap3A_304 = vector.load %arg9[%swap3A_302, %swap3A_303] : memref<8x512xf32, #tpu.memory_space<vmem>>, vector<8x512xf32>
      tpu.vector_store %arg9[%swap3A_302, %swap3A_303], %broadcast_in_dim3A_301 {strides = array<i32>} : memref<8x512xf32, #tpu.memory_space<vmem>>, vector<8x512xf32>,
    } else {
    }
    %get3A = arith.constant 0 : index
    %get3A_2 = arith.constant 0 : index
    %get3A_3 = vector.load %arg1[%get3A, %get3A_2] : memref<512x1024xf32, #tpu.memory_space<vmem>>, vector<512x1024xf32>
    %get3A_4 = arith.constant 0 : index
    %get3A_5 = arith.constant 0 : index
    %get3A_6 = vector.load %arg2[%get3A_4, %get3A_5] : memref<1024x64xf32, #tpu.memory_space<vmem>>, vector<1024x64xf32>
    %dot_general3A = arith.constant dense<0.000000e+00> : vector<512x64xf32>
    %dot_general3A_7 = tpu.matmul %get3A_3, %get3A_6, %dot_general3A {dimension_numbers = #tpu.dot_dimension_numbers<[1], [0], [0], [1], [0, 0, 1, 1], [], []>, transpose_lhs_hint = false} : vector<512x1024xf32>, vector<1024x64xf32>, vector<512x64xf32> -> vector<512x64xf32>
    %reduce_max3A = arith.constant dense<0xFF800000> : vector<512xf32>
    %reduce_max3A_8 = vector.multi_reduction <maximumf>, %dot_general3A_7, %reduce_max3A [1] : vector<512x64xf32> to vector<512xf32>
    %broadcast_in_dim3A = vector.shape_cast %reduce_max3A_8 : vector<512xf32> to vector<512x1xf32>
    %sub3A = vector.broadcast %broadcast_in_dim3A : vector<512x1xf32> to vector<512x64xf32>
    %sub3A_9 = arith.subf %dot_general3A_7, %sub3A : vector<512x64xf32>
    %exp3A = math.exp %sub3A_9 : vector<512x64xf32>
    %reduce_sum3A = arith.constant dense<0.000000e+00> : vector<512xf32>
    %reduce_sum3A_10 = vector.multi_reduction <add>, %exp3A, %reduce_sum3A [1] : vector<512x64xf32> to vector<512xf32>
    %broadcast_in_dim3A_11 = vector.shape_cast %reduce_sum3A_10 : vector<512xf32> to vector<512x1xf32>
    %div3A = arith.constant 1.000000e+00 : f32
    %div3A_12 = vector.broadcast %div3A : f32 to vector<512x1xf32>
    %div3A_13 = arith.divf %div3A_12, %broadcast_in_dim3A_11 : vector<512x1xf32>
    %iota3A = tpu.iota {dimensions = array<i32: 1>} : vector<512x64xi32>
    %eq3A_14 = vector.broadcast %broadcast_in_dim3A : vector<512x1xf32> to vector<512x64xf32>
    %eq3A_15 = arith.cmpf oeq, %dot_general3A_7, %eq3A_14 : vector<512x64xf32>
    %jit3A = arith.constant 64 : i32
    %broadcast_in_dim3A_16 = vector.broadcast %jit3A : i32 to vector<512x64xi32>
    %select_n3A = arith.select %eq3A_15, %iota3A, %broadcast_in_dim3A_16 : vector<512x64xi1>, vector<512x64xi32>
    %reduce_min3A = arith.constant dense<2147483647> : vector<512xi32>
    %reduce_min3A_17 = vector.multi_reduction <minsi>, %select_n3A, %reduce_min3A [1] : vector<512x64xi32> to vector<512xi32>
    %broadcast_in_dim3A_18 = vector.shape_cast %reduce_min3A_17 : vector<512xi32> to vector<512x1xi32>
    %eq3A_19 = vector.broadcast %broadcast_in_dim3A_18 : vector<512x1xi32> to vector<512x64xi32>
    %eq3A_20 = arith.cmpi eq, %eq3A_19, %iota3A : vector<512x64xi32>
    %convert_element_type3A_21 = arith.extui %eq3A_20 : vector<512x64xi1> to vector<512x64xi32>
    %convert_element_type3A_22 = arith.sitofp %convert_element_type3A_21 : vector<512x64xi32> to vector<512x64xf32>
    %iota3A_23 = tpu.iota {dimensions = array<i32: 0>} : vector<512x512xi32>
    %iota3A_24 = tpu.iota {dimensions = array<i32: 1>} : vector<512x512xi32>
    %gt3A = arith.cmpi sgt, %iota3A_23, %iota3A_24 : vector<512x512xi32>
    %convert_element_type3A_25 = arith.extui %gt3A : vector<512x512xi1> to vector<512x512xi32>
    %convert_element_type3A_26 = arith.sitofp %convert_element_type3A_25 : vector<512x512xi32> to vector<512x512xf32>
    %dot_general3A_27 = arith.constant dense<0.000000e+00> : vector<512x64xf32>
    %dot_general3A_28 = tpu.matmul %convert_element_type3A_26, %convert_element_type3A_22, %dot_general3A_27 {dimension_numbers = #tpu.dot_dimension_numbers<[1], [0], [0], [1], [0, 0, 1, 1], [], []>, transpose_lhs_hint = false} : vector<512x512xf32>, vector<512x64xf32>, vector<512x64xf32> -> vector<512x64xf32>
    %get3A_29 = arith.constant 0 : index
    %get3A_30 = arith.constant 0 : index
    %get3A_31 = vector.load %arg6[%get3A_29, %get3A_30] : memref<1x64xf32, #tpu.memory_space<vmem>>, vector<1x64xf32>
    %add3A = vector.broadcast %get3A_31 : vector<1x64xf32> to vector<512x64xf32>
    %add3A_32 = arith.addf %dot_general3A_28, %add3A : vector<512x64xf32>
    %mul3A = arith.mulf %add3A_32, %convert_element_type3A_22 : vector<512x64xf32>
    %reduce_sum3A_33 = arith.constant dense<0.000000e+00> : vector<512xf32>
    %reduce_sum3A_34 = vector.multi_reduction <add>, %mul3A, %reduce_sum3A_33 [1] : vector<512x64xf32> to vector<512xf32>
    %broadcast_in_dim3A_35 = vector.shape_cast %reduce_sum3A_34 : vector<512xf32> to vector<512x1xf32>
    %reduce_sum3A_36 = arith.constant dense<0.000000e+00> : vector<64xf32>
    %reduce_sum3A_37 = vector.multi_reduction <add>, %convert_element_type3A_22, %reduce_sum3A_36 [0] : vector<512x64xf32> to vector<64xf32>
    %broadcast_in_dim3A_38 = vector.shape_cast %reduce_sum3A_37 : vector<64xf32> to vector<1x64xf32>
    %add3A_39 = arith.addf %get3A_31, %broadcast_in_dim3A_38 : vector<1x64xf32>
    %swap3A = arith.constant 0 : index
    %swap3A_40 = arith.constant 0 : index
    %swap3A_41 = vector.load %arg6[%swap3A, %swap3A_40] : memref<1x64xf32, #tpu.memory_space<vmem>>, vector<1x64xf32>
    tpu.vector_store %arg6[%swap3A, %swap3A_40], %add3A_39 {strides = array<i32>} : memref<1x64xf32, #tpu.memory_space<vmem>>, vector<1x64xf32>,
    %lt3A = arith.constant 6.400000e+01 : f32
    %lt3A_42 = vector.broadcast %lt3A : f32 to vector<512x1xf32>
    %lt3A_43 = arith.cmpf olt, %broadcast_in_dim3A_35, %lt3A_42 : vector<512x1xf32>
    %mul3A_44 = arith.constant 64 : i32
    %mul3A_45 = vector.broadcast %mul3A_44 : i32 to vector<512x1xi32>
    %mul3A_46 = arith.muli %broadcast_in_dim3A_18, %mul3A_45 : vector<512x1xi32>
    %convert_element_type3A_47 = arith.fptosi %broadcast_in_dim3A_35 : vector<512x1xf32> to vector<512x1xi32>
    %add3A_48 = arith.addi %mul3A_46, %convert_element_type3A_47 : vector<512x1xi32>
    %jit3A_49 = arith.constant 4096 : i32
    %broadcast_in_dim3A_50 = vector.broadcast %jit3A_49 : i32 to vector<512x1xi32>
    %select_n3A_51 = arith.select %lt3A_43, %add3A_48, %broadcast_in_dim3A_50 : vector<512x1xi1>, vector<512x1xi32>
    %swap3A_52 = arith.constant 0 : index
    %swap3A_53 = arith.constant 0 : index
    %swap3A_54 = vector.load %arg3[%swap3A_52, %swap3A_53] : memref<512x1xi32, #tpu.memory_space<vmem>>, vector<512x1xi32>
    tpu.vector_store %arg3[%swap3A_52, %swap3A_53], %select_n3A_51 {strides = array<i32>} : memref<512x1xi32, #tpu.memory_space<vmem>>, vector<512x1xi32>,
    %jit3A_55 = arith.constant 0.000000e+00 : f32
    %broadcast_in_dim3A_56 = vector.broadcast %jit3A_55 : f32 to vector<512x1xf32>
    %select_n3A_57 = arith.select %lt3A_43, %div3A_13, %broadcast_in_dim3A_56 : vector<512x1xi1>, vector<512x1xf32>
    %iota3A_58 = tpu.iota {dimensions = array<i32: 0>} : vector<512x1xi32>
    %mul3A_59 = arith.constant 512 : i32
    %mul3A_60 = arith.muli %arg0, %mul3A_59 : i32
    %add3A_61 = vector.broadcast %mul3A_60 : i32 to vector<512x1xi32>
    %add3A_62 = arith.addi %iota3A_58, %add3A_61 : vector<512x1xi32>
    %convert_element_type3A_63 = arith.sitofp %add3A_62 : vector<512x1xi32> to vector<512x1xf32>
    %iota3A_64 = tpu.iota {dimensions = array<i32: 1>} : vector<1x512xi32>
    %add3A_65 = arith.constant 0 : i32
    %add3A_66 = vector.broadcast %add3A_65 : i32 to vector<1x512xi32>
    %add3A_67 = arith.addi %iota3A_64, %add3A_66 : vector<1x512xi32>
    %eq3A_68 = vector.broadcast %select_n3A_51 : vector<512x1xi32> to vector<512x512xi32>
    %eq3A_69 = vector.broadcast %add3A_67 : vector<1x512xi32> to vector<512x512xi32>
    %eq3A_70 = arith.cmpi eq, %eq3A_68, %eq3A_69 : vector<512x512xi32>
    %convert_element_type3A_71 = arith.extui %eq3A_70 : vector<512x512xi1> to vector<512x512xi32>
    %convert_element_type3A_72 = arith.sitofp %convert_element_type3A_71 : vector<512x512xi32> to vector<512x512xf32>
    %mul3A_73 = vector.broadcast %convert_element_type3A_63 : vector<512x1xf32> to vector<512x512xf32>
    %mul3A_74 = arith.mulf %convert_element_type3A_72, %mul3A_73 : vector<512x512xf32>
    %reduce_sum3A_75 = arith.constant dense<0.000000e+00> : vector<512xf32>
    %reduce_sum3A_76 = vector.multi_reduction <add>, %mul3A_74, %reduce_sum3A_75 [0] : vector<512x512xf32> to vector<512xf32>
    %broadcast_in_dim3A_77 = vector.shape_cast %reduce_sum3A_76 : vector<512xf32> to vector<1x512xf32>
    %reduce_sum3A_78 = arith.constant dense<0.000000e+00> : vector<512xf32>
    %reduce_sum3A_79 = vector.multi_reduction <add>, %convert_element_type3A_72, %reduce_sum3A_78 [0] : vector<512x512xf32> to vector<512xf32>
    %broadcast_in_dim3A_80 = vector.shape_cast %reduce_sum3A_79 : vector<512xf32> to vector<1x512xf32>
    %mul3A_81 = vector.broadcast %select_n3A_57 : vector<512x1xf32> to vector<512x512xf32>
    %mul3A_82 = arith.mulf %convert_element_type3A_72, %mul3A_81 : vector<512x512xf32>
    %reduce_sum3A_83 = arith.constant dense<0.000000e+00> : vector<512xf32>
    %reduce_sum3A_84 = vector.multi_reduction <add>, %mul3A_82, %reduce_sum3A_83 [0] : vector<512x512xf32> to vector<512xf32>
    %broadcast_in_dim3A_85 = vector.shape_cast %reduce_sum3A_84 : vector<512xf32> to vector<1x512xf32>
    %iota3A_86 = tpu.iota {dimensions = array<i32: 1>} : vector<1x512xi32>
    %add3A_87 = arith.constant 512 : i32
    %add3A_88 = vector.broadcast %add3A_87 : i32 to vector<1x512xi32>
    %add3A_89 = arith.addi %iota3A_86, %add3A_88 : vector<1x512xi32>
    %eq3A_90 = vector.broadcast %select_n3A_51 : vector<512x1xi32> to vector<512x512xi32>
    %eq3A_91 = vector.broadcast %add3A_89 : vector<1x512xi32> to vector<512x512xi32>
    %eq3A_92 = arith.cmpi eq, %eq3A_90, %eq3A_91 : vector<512x512xi32>
    %convert_element_type3A_93 = arith.extui %eq3A_92 : vector<512x512xi1> to vector<512x512xi32>
    %convert_element_type3A_94 = arith.sitofp %convert_element_type3A_93 : vector<512x512xi32> to vector<512x512xf32>
    %mul3A_95 = vector.broadcast %convert_element_type3A_63 : vector<512x1xf32> to vector<512x512xf32>
    %mul3A_96 = arith.mulf %convert_element_type3A_94, %mul3A_95 : vector<512x512xf32>
    %reduce_sum3A_97 = arith.constant dense<0.000000e+00> : vector<512xf32>
    %reduce_sum3A_98 = vector.multi_reduction <add>, %mul3A_96, %reduce_sum3A_97 [0] : vector<512x512xf32> to vector<512xf32>
    %broadcast_in_dim3A_99 = vector.shape_cast %reduce_sum3A_98 : vector<512xf32> to vector<1x512xf32>
    %reduce_sum3A_100 = arith.constant dense<0.000000e+00> : vector<512xf32>
    %reduce_sum3A_101 = vector.multi_reduction <add>, %convert_element_type3A_94, %reduce_sum3A_100 [0] : vector<512x512xf32> to vector<512xf32>
    %broadcast_in_dim3A_102 = vector.shape_cast %reduce_sum3A_101 : vector<512xf32> to vector<1x512xf32>
    %mul3A_103 = vector.broadcast %select_n3A_57 : vector<512x1xf32> to vector<512x512xf32>
    %mul3A_104 = arith.mulf %convert_element_type3A_94, %mul3A_103 : vector<512x512xf32>
    %reduce_sum3A_105 = arith.constant dense<0.000000e+00> : vector<512xf32>
    %reduce_sum3A_106 = vector.multi_reduction <add>, %mul3A_104, %reduce_sum3A_105 [0] : vector<512x512xf32> to vector<512xf32>
    %broadcast_in_dim3A_107 = vector.shape_cast %reduce_sum3A_106 : vector<512xf32> to vector<1x512xf32>
    %iota3A_108 = tpu.iota {dimensions = array<i32: 1>} : vector<1x512xi32>
    %add3A_109 = arith.constant 1024 : i32
    %add3A_110 = vector.broadcast %add3A_109 : i32 to vector<1x512xi32>
    %add3A_111 = arith.addi %iota3A_108, %add3A_110 : vector<1x512xi32>
    %eq3A_112 = vector.broadcast %select_n3A_51 : vector<512x1xi32> to vector<512x512xi32>
    %eq3A_113 = vector.broadcast %add3A_111 : vector<1x512xi32> to vector<512x512xi32>
    %eq3A_114 = arith.cmpi eq, %eq3A_112, %eq3A_113 : vector<512x512xi32>
    %convert_element_type3A_115 = arith.extui %eq3A_114 : vector<512x512xi1> to vector<512x512xi32>
    %convert_element_type3A_116 = arith.sitofp %convert_element_type3A_115 : vector<512x512xi32> to vector<512x512xf32>
    %mul3A_117 = vector.broadcast %convert_element_type3A_63 : vector<512x1xf32> to vector<512x512xf32>
    %mul3A_118 = arith.mulf %convert_element_type3A_116, %mul3A_117 : vector<512x512xf32>
    %reduce_sum3A_119 = arith.constant dense<0.000000e+00> : vector<512xf32>
    %reduce_sum3A_120 = vector.multi_reduction <add>, %mul3A_118, %reduce_sum3A_119 [0] : vector<512x512xf32> to vector<512xf32>
    %broadcast_in_dim3A_121 = vector.shape_cast %reduce_sum3A_120 : vector<512xf32> to vector<1x512xf32>
    %reduce_sum3A_122 = arith.constant dense<0.000000e+00> : vector<512xf32>
    %reduce_sum3A_123 = vector.multi_reduction <add>, %convert_element_type3A_116, %reduce_sum3A_122 [0] : vector<512x512xf32> to vector<512xf32>
    %broadcast_in_dim3A_124 = vector.shape_cast %reduce_sum3A_123 : vector<512xf32> to vector<1x512xf32>
    %mul3A_125 = vector.broadcast %select_n3A_57 : vector<512x1xf32> to vector<512x512xf32>
    %mul3A_126 = arith.mulf %convert_element_type3A_116, %mul3A_125 : vector<512x512xf32>
    %reduce_sum3A_127 = arith.constant dense<0.000000e+00> : vector<512xf32>
    %reduce_sum3A_128 = vector.multi_reduction <add>, %mul3A_126, %reduce_sum3A_127 [0] : vector<512x512xf32> to vector<512xf32>
    %broadcast_in_dim3A_129 = vector.shape_cast %reduce_sum3A_128 : vector<512xf32> to vector<1x512xf32>
    %iota3A_130 = tpu.iota {dimensions = array<i32: 1>} : vector<1x512xi32>
    %add3A_131 = arith.constant 1536 : i32
    %add3A_132 = vector.broadcast %add3A_131 : i32 to vector<1x512xi32>
    %add3A_133 = arith.addi %iota3A_130, %add3A_132 : vector<1x512xi32>
    %eq3A_134 = vector.broadcast %select_n3A_51 : vector<512x1xi32> to vector<512x512xi32>
    %eq3A_135 = vector.broadcast %add3A_133 : vector<1x512xi32> to vector<512x512xi32>
    %eq3A_136 = arith.cmpi eq, %eq3A_134, %eq3A_135 : vector<512x512xi32>
    %convert_element_type3A_137 = arith.extui %eq3A_136 : vector<512x512xi1> to vector<512x512xi32>
    %convert_element_type3A_138 = arith.sitofp %convert_element_type3A_137 : vector<512x512xi32> to vector<512x512xf32>
    %mul3A_139 = vector.broadcast %convert_element_type3A_63 : vector<512x1xf32> to vector<512x512xf32>
    %mul3A_140 = arith.mulf %convert_element_type3A_138, %mul3A_139 : vector<512x512xf32>
    %reduce_sum3A_141 = arith.constant dense<0.000000e+00> : vector<512xf32>
    %reduce_sum3A_142 = vector.multi_reduction <add>, %mul3A_140, %reduce_sum3A_141 [0] : vector<512x512xf32> to vector<512xf32>
    %broadcast_in_dim3A_143 = vector.shape_cast %reduce_sum3A_142 : vector<512xf32> to vector<1x512xf32>
    %reduce_sum3A_144 = arith.constant dense<0.000000e+00> : vector<512xf32>
    %reduce_sum3A_145 = vector.multi_reduction <add>, %convert_element_type3A_138, %reduce_sum3A_144 [0] : vector<512x512xf32> to vector<512xf32>
    %broadcast_in_dim3A_146 = vector.shape_cast %reduce_sum3A_145 : vector<512xf32> to vector<1x512xf32>
    %mul3A_147 = vector.broadcast %select_n3A_57 : vector<512x1xf32> to vector<512x512xf32>
    %mul3A_148 = arith.mulf %convert_element_type3A_138, %mul3A_147 : vector<512x512xf32>
    %reduce_sum3A_149 = arith.constant dense<0.000000e+00> : vector<512xf32>
    %reduce_sum3A_150 = vector.multi_reduction <add>, %mul3A_148, %reduce_sum3A_149 [0] : vector<512x512xf32> to vector<512xf32>
    %broadcast_in_dim3A_151 = vector.shape_cast %reduce_sum3A_150 : vector<512xf32> to vector<1x512xf32>
    %iota3A_152 = tpu.iota {dimensions = array<i32: 1>} : vector<1x512xi32>
    %add3A_153 = arith.constant 2048 : i32
    %add3A_154 = vector.broadcast %add3A_153 : i32 to vector<1x512xi32>
    %add3A_155 = arith.addi %iota3A_152, %add3A_154 : vector<1x512xi32>
    %eq3A_156 = vector.broadcast %select_n3A_51 : vector<512x1xi32> to vector<512x512xi32>
    %eq3A_157 = vector.broadcast %add3A_155 : vector<1x512xi32> to vector<512x512xi32>
    %eq3A_158 = arith.cmpi eq, %eq3A_156, %eq3A_157 : vector<512x512xi32>
    %convert_element_type3A_159 = arith.extui %eq3A_158 : vector<512x512xi1> to vector<512x512xi32>
    %convert_element_type3A_160 = arith.sitofp %convert_element_type3A_159 : vector<512x512xi32> to vector<512x512xf32>
    %mul3A_161 = vector.broadcast %convert_element_type3A_63 : vector<512x1xf32> to vector<512x512xf32>
    %mul3A_162 = arith.mulf %convert_element_type3A_160, %mul3A_161 : vector<512x512xf32>
    %reduce_sum3A_163 = arith.constant dense<0.000000e+00> : vector<512xf32>
    %reduce_sum3A_164 = vector.multi_reduction <add>, %mul3A_162, %reduce_sum3A_163 [0] : vector<512x512xf32> to vector<512xf32>
    %broadcast_in_dim3A_165 = vector.shape_cast %reduce_sum3A_164 : vector<512xf32> to vector<1x512xf32>
    %reduce_sum3A_166 = arith.constant dense<0.000000e+00> : vector<512xf32>
    %reduce_sum3A_167 = vector.multi_reduction <add>, %convert_element_type3A_160, %reduce_sum3A_166 [0] : vector<512x512xf32> to vector<512xf32>
    %broadcast_in_dim3A_168 = vector.shape_cast %reduce_sum3A_167 : vector<512xf32> to vector<1x512xf32>
    %mul3A_169 = vector.broadcast %select_n3A_57 : vector<512x1xf32> to vector<512x512xf32>
    %mul3A_170 = arith.mulf %convert_element_type3A_160, %mul3A_169 : vector<512x512xf32>
    %reduce_sum3A_171 = arith.constant dense<0.000000e+00> : vector<512xf32>
    %reduce_sum3A_172 = vector.multi_reduction <add>, %mul3A_170, %reduce_sum3A_171 [0] : vector<512x512xf32> to vector<512xf32>
    %broadcast_in_dim3A_173 = vector.shape_cast %reduce_sum3A_172 : vector<512xf32> to vector<1x512xf32>
    %iota3A_174 = tpu.iota {dimensions = array<i32: 1>} : vector<1x512xi32>
    %add3A_175 = arith.constant 2560 : i32
    %add3A_176 = vector.broadcast %add3A_175 : i32 to vector<1x512xi32>
    %add3A_177 = arith.addi %iota3A_174, %add3A_176 : vector<1x512xi32>
    %eq3A_178 = vector.broadcast %select_n3A_51 : vector<512x1xi32> to vector<512x512xi32>
    %eq3A_179 = vector.broadcast %add3A_177 : vector<1x512xi32> to vector<512x512xi32>
    %eq3A_180 = arith.cmpi eq, %eq3A_178, %eq3A_179 : vector<512x512xi32>
    %convert_element_type3A_181 = arith.extui %eq3A_180 : vector<512x512xi1> to vector<512x512xi32>
    %convert_element_type3A_182 = arith.sitofp %convert_element_type3A_181 : vector<512x512xi32> to vector<512x512xf32>
    %mul3A_183 = vector.broadcast %convert_element_type3A_63 : vector<512x1xf32> to vector<512x512xf32>
    %mul3A_184 = arith.mulf %convert_element_type3A_182, %mul3A_183 : vector<512x512xf32>
    %reduce_sum3A_185 = arith.constant dense<0.000000e+00> : vector<512xf32>
    %reduce_sum3A_186 = vector.multi_reduction <add>, %mul3A_184, %reduce_sum3A_185 [0] : vector<512x512xf32> to vector<512xf32>
    %broadcast_in_dim3A_187 = vector.shape_cast %reduce_sum3A_186 : vector<512xf32> to vector<1x512xf32>
    %reduce_sum3A_188 = arith.constant dense<0.000000e+00> : vector<512xf32>
    %reduce_sum3A_189 = vector.multi_reduction <add>, %convert_element_type3A_182, %reduce_sum3A_188 [0] : vector<512x512xf32> to vector<512xf32>
    %broadcast_in_dim3A_190 = vector.shape_cast %reduce_sum3A_189 : vector<512xf32> to vector<1x512xf32>
    %mul3A_191 = vector.broadcast %select_n3A_57 : vector<512x1xf32> to vector<512x512xf32>
    %mul3A_192 = arith.mulf %convert_element_type3A_182, %mul3A_191 : vector<512x512xf32>
    %reduce_sum3A_193 = arith.constant dense<0.000000e+00> : vector<512xf32>
    %reduce_sum3A_194 = vector.multi_reduction <add>, %mul3A_192, %reduce_sum3A_193 [0] : vector<512x512xf32> to vector<512xf32>
    %broadcast_in_dim3A_195 = vector.shape_cast %reduce_sum3A_194 : vector<512xf32> to vector<1x512xf32>
    %iota3A_196 = tpu.iota {dimensions = array<i32: 1>} : vector<1x512xi32>
    %add3A_197 = arith.constant 3072 : i32
    %add3A_198 = vector.broadcast %add3A_197 : i32 to vector<1x512xi32>
    %add3A_199 = arith.addi %iota3A_196, %add3A_198 : vector<1x512xi32>
    %eq3A_200 = vector.broadcast %select_n3A_51 : vector<512x1xi32> to vector<512x512xi32>
    %eq3A_201 = vector.broadcast %add3A_199 : vector<1x512xi32> to vector<512x512xi32>
    %eq3A_202 = arith.cmpi eq, %eq3A_200, %eq3A_201 : vector<512x512xi32>
    %convert_element_type3A_203 = arith.extui %eq3A_202 : vector<512x512xi1> to vector<512x512xi32>
    %convert_element_type3A_204 = arith.sitofp %convert_element_type3A_203 : vector<512x512xi32> to vector<512x512xf32>
    %mul3A_205 = vector.broadcast %convert_element_type3A_63 : vector<512x1xf32> to vector<512x512xf32>
    %mul3A_206 = arith.mulf %convert_element_type3A_204, %mul3A_205 : vector<512x512xf32>
    %reduce_sum3A_207 = arith.constant dense<0.000000e+00> : vector<512xf32>
    %reduce_sum3A_208 = vector.multi_reduction <add>, %mul3A_206, %reduce_sum3A_207 [0] : vector<512x512xf32> to vector<512xf32>
    %broadcast_in_dim3A_209 = vector.shape_cast %reduce_sum3A_208 : vector<512xf32> to vector<1x512xf32>
    %reduce_sum3A_210 = arith.constant dense<0.000000e+00> : vector<512xf32>
    %reduce_sum3A_211 = vector.multi_reduction <add>, %convert_element_type3A_204, %reduce_sum3A_210 [0] : vector<512x512xf32> to vector<512xf32>
    %broadcast_in_dim3A_212 = vector.shape_cast %reduce_sum3A_211 : vector<512xf32> to vector<1x512xf32>
    %mul3A_213 = vector.broadcast %select_n3A_57 : vector<512x1xf32> to vector<512x512xf32>
    %mul3A_214 = arith.mulf %convert_element_type3A_204, %mul3A_213 : vector<512x512xf32>
    %reduce_sum3A_215 = arith.constant dense<0.000000e+00> : vector<512xf32>
    %reduce_sum3A_216 = vector.multi_reduction <add>, %mul3A_214, %reduce_sum3A_215 [0] : vector<512x512xf32> to vector<512xf32>
    %broadcast_in_dim3A_217 = vector.shape_cast %reduce_sum3A_216 : vector<512xf32> to vector<1x512xf32>
    %iota3A_218 = tpu.iota {dimensions = array<i32: 1>} : vector<1x512xi32>
    %add3A_219 = arith.constant 3584 : i32
    %add3A_220 = vector.broadcast %add3A_219 : i32 to vector<1x512xi32>
    %add3A_221 = arith.addi %iota3A_218, %add3A_220 : vector<1x512xi32>
    %eq3A_222 = vector.broadcast %select_n3A_51 : vector<512x1xi32> to vector<512x512xi32>
    %eq3A_223 = vector.broadcast %add3A_221 : vector<1x512xi32> to vector<512x512xi32>
    %eq3A_224 = arith.cmpi eq, %eq3A_222, %eq3A_223 : vector<512x512xi32>
    %convert_element_type3A_225 = arith.extui %eq3A_224 : vector<512x512xi1> to vector<512x512xi32>
    %convert_element_type3A_226 = arith.sitofp %convert_element_type3A_225 : vector<512x512xi32> to vector<512x512xf32>
    %mul3A_227 = vector.broadcast %convert_element_type3A_63 : vector<512x1xf32> to vector<512x512xf32>
    %mul3A_228 = arith.mulf %convert_element_type3A_226, %mul3A_227 : vector<512x512xf32>
    %reduce_sum3A_229 = arith.constant dense<0.000000e+00> : vector<512xf32>
    %reduce_sum3A_230 = vector.multi_reduction <add>, %mul3A_228, %reduce_sum3A_229 [0] : vector<512x512xf32> to vector<512xf32>
    %broadcast_in_dim3A_231 = vector.shape_cast %reduce_sum3A_230 : vector<512xf32> to vector<1x512xf32>
    %reduce_sum3A_232 = arith.constant dense<0.000000e+00> : vector<512xf32>
    %reduce_sum3A_233 = vector.multi_reduction <add>, %convert_element_type3A_226, %reduce_sum3A_232 [0] : vector<512x512xf32> to vector<512xf32>
    %broadcast_in_dim3A_234 = vector.shape_cast %reduce_sum3A_233 : vector<512xf32> to vector<1x512xf32>
    %mul3A_235 = vector.broadcast %select_n3A_57 : vector<512x1xf32> to vector<512x512xf32>
    %mul3A_236 = arith.mulf %convert_element_type3A_226, %mul3A_235 : vector<512x512xf32>
    %reduce_sum3A_237 = arith.constant dense<0.000000e+00> : vector<512xf32>
    %reduce_sum3A_238 = vector.multi_reduction <add>, %mul3A_236, %reduce_sum3A_237 [0] : vector<512x512xf32> to vector<512xf32>
    %broadcast_in_dim3A_239 = vector.shape_cast %reduce_sum3A_238 : vector<512xf32> to vector<1x512xf32>
    %get3A_240 = arith.constant 0 : index
    %get3A_241 = arith.constant 0 : index
    %get3A_242 = vector.load %arg7[%get3A_240, %get3A_241] : memref<8x512xf32, #tpu.memory_space<vmem>>, vector<8x512xf32>
    %concatenate3A = tpu.concatenate %broadcast_in_dim3A_77, %broadcast_in_dim3A_99, %broadcast_in_dim3A_121, %broadcast_in_dim3A_143, %broadcast_in_dim3A_165, %broadcast_in_dim3A_187, %broadcast_in_dim3A_209, %broadcast_in_dim3A_231 in 0 : vector<1x512xf32>, vector<1x512xf32>, vector<1x512xf32>, vector<1x512xf32>, vector<1x512xf32>, vector<1x512xf32>, vector<1x512xf32>, vector<1x512xf32> -> vector<8x512xf32>
    %add3A_243 = arith.addf %get3A_242, %concatenate3A : vector<8x512xf32>
    %swap3A_244 = arith.constant 0 : index
    %swap3A_245 = arith.constant 0 : index
    %swap3A_246 = vector.load %arg7[%swap3A_244, %swap3A_245] : memref<8x512xf32, #tpu.memory_space<vmem>>, vector<8x512xf32>
    tpu.vector_store %arg7[%swap3A_244, %swap3A_245], %add3A_243 {strides = array<i32>} : memref<8x512xf32, #tpu.memory_space<vmem>>, vector<8x512xf32>,
    %get3A_247 = arith.constant 0 : index
    %get3A_248 = arith.constant 0 : index
    %get3A_249 = vector.load %arg8[%get3A_247, %get3A_248] : memref<8x512xf32, #tpu.memory_space<vmem>>, vector<8x512xf32>
    %concatenate3A_250 = tpu.concatenate %broadcast_in_dim3A_80, %broadcast_in_dim3A_102, %broadcast_in_dim3A_124, %broadcast_in_dim3A_146, %broadcast_in_dim3A_168, %broadcast_in_dim3A_190, %broadcast_in_dim3A_212, %broadcast_in_dim3A_234 in 0 : vector<1x512xf32>, vector<1x512xf32>, vector<1x512xf32>, vector<1x512xf32>, vector<1x512xf32>, vector<1x512xf32>, vector<1x512xf32>, vector<1x512xf32> -> vector<8x512xf32>
    %add3A_251 = arith.addf %get3A_249, %concatenate3A_250 : vector<8x512xf32>
    %swap3A_252 = arith.constant 0 : index
    %swap3A_253 = arith.constant 0 : index
    %swap3A_254 = vector.load %arg8[%swap3A_252, %swap3A_253] : memref<8x512xf32, #tpu.memory_space<vmem>>, vector<8x512xf32>
    tpu.vector_store %arg8[%swap3A_252, %swap3A_253], %add3A_251 {strides = array<i32>} : memref<8x512xf32, #tpu.memory_space<vmem>>, vector<8x512xf32>,
    %get3A_255 = arith.constant 0 : index
    %get3A_256 = arith.constant 0 : index
    %get3A_257 = vector.load %arg9[%get3A_255, %get3A_256] : memref<8x512xf32, #tpu.memory_space<vmem>>, vector<8x512xf32>
    %concatenate3A_258 = tpu.concatenate %broadcast_in_dim3A_85, %broadcast_in_dim3A_107, %broadcast_in_dim3A_129, %broadcast_in_dim3A_151, %broadcast_in_dim3A_173, %broadcast_in_dim3A_195, %broadcast_in_dim3A_217, %broadcast_in_dim3A_239 in 0 : vector<1x512xf32>, vector<1x512xf32>, vector<1x512xf32>, vector<1x512xf32>, vector<1x512xf32>, vector<1x512xf32>, vector<1x512xf32>, vector<1x512xf32> -> vector<8x512xf32>
    %add3A_259 = arith.addf %get3A_257, %concatenate3A_258 : vector<8x512xf32>
    %swap3A_260 = arith.constant 0 : index
    %swap3A_261 = arith.constant 0 : index
    %swap3A_262 = vector.load %arg9[%swap3A_260, %swap3A_261] : memref<8x512xf32, #tpu.memory_space<vmem>>, vector<8x512xf32>
    tpu.vector_store %arg9[%swap3A_260, %swap3A_261], %add3A_259 {strides = array<i32>} : memref<8x512xf32, #tpu.memory_space<vmem>>, vector<8x512xf32>,
    %get3A_263 = arith.constant 0 : index
    %get3A_264 = arith.constant 0 : index
    %get3A_265 = vector.load %arg8[%get3A_263, %get3A_264] : memref<8x512xf32, #tpu.memory_space<vmem>>, vector<8x512xf32>
    %gt3A_266 = arith.constant 0.000000e+00 : f32
    %gt3A_267 = vector.broadcast %gt3A_266 : f32 to vector<8x512xf32>
    %gt3A_268 = arith.cmpf ogt, %get3A_265, %gt3A_267 : vector<8x512xf32>
    %get3A_269 = arith.constant 0 : index
    %get3A_270 = arith.constant 0 : index
    %get3A_271 = vector.load %arg7[%get3A_269, %get3A_270] : memref<8x512xf32, #tpu.memory_space<vmem>>, vector<8x512xf32>
    %jit3A_272 = arith.constant 0.000000e+00 : f32
    %broadcast_in_dim3A_273 = vector.broadcast %jit3A_272 : f32 to vector<8x512xf32>
    %select_n3A_274 = arith.select %gt3A_268, %get3A_271, %broadcast_in_dim3A_273 : vector<8x512xi1>, vector<8x512xf32>
    %convert_element_type3A_275 = arith.fptosi %select_n3A_274 : vector<8x512xf32> to vector<8x512xi32>
    %swap3A_276 = arith.constant 0 : index
    %swap3A_277 = arith.constant 0 : index
    %swap3A_278 = vector.load %arg4[%swap3A_276, %swap3A_277] : memref<8x512xi32, #tpu.memory_space<vmem>>, vector<8x512xi32>
    tpu.vector_store %arg4[%swap3A_276, %swap3A_277], %convert_element_type3A_275 {strides = array<i32>} : memref<8x512xi32, #tpu.memory_space<vmem>>, vector<8x512xi32>,
    %get3A_279 = arith.constant 0 : index
    %get3A_280 = arith.constant 0 : index
    %get3A_281 = vector.load %arg9[%get3A_279, %get3A_280] : memref<8x512xf32, #tpu.memory_space<vmem>>, vector<8x512xf32>
    %swap3A_282 = arith.constant 0 : index
    %swap3A_283 = arith.constant 0 : index
    %swap3A_284 = vector.load %arg5[%swap3A_282, %swap3A_283] : memref<8x512xf32, #tpu.memory_space<vmem>>, vector<8x512xf32>
    tpu.vector_store %arg5[%swap3A_282, %swap3A_283], %get3A_281 {strides = array<i32>} : memref<8x512xf32, #tpu.memory_space<vmem>>, vector<8x512xf32>,
    return
  }
  func.func @transform_0(%arg0: i32) -> (i32, i32) {
    %c0_i32 = arith.constant 0 : i32
    %c0_i32_0 = arith.constant 0 : i32
    return %arg0, %c0_i32 : i32, i32
  }
  func.func @transform_1(%arg0: i32) -> (i32, i32) {
    %c0_i32 = arith.constant 0 : i32
    %c0_i32_0 = arith.constant 0 : i32
    %c0_i32_1 = arith.constant 0 : i32
    return %c0_i32, %c0_i32_0 : i32, i32
  }
  func.func @transform_2(%arg0: i32) -> (i32, i32) {
    %c0_i32 = arith.constant 0 : i32
    %c0_i32_0 = arith.constant 0 : i32
    return %arg0, %c0_i32 : i32, i32
  }
  func.func @transform_3(%arg0: i32) -> (i32, i32) {
    %c0_i32 = arith.constant 0 : i32
    %c0_i32_0 = arith.constant 0 : i32
    %c0_i32_1 = arith.constant 0 : i32
    return %c0_i32, %c0_i32_0 : i32, i32
  }
  func.func @transform_4(%arg0: i32) -> (i32, i32) {
    %c0_i32 = arith.constant 0 : i32
    %c0_i32_0 = arith.constant 0 : i32
    %c0_i32_1 = arith.constant 0 : i32
    return %c0_i32, %c0_i32_0 : i32, i32
  }
}

module attributes {stable_mosaic.version = 14 : i64} {
  func.func @_ffn_body(%arg0: i32, %arg1: i32, %arg2: memref<64x1024xf32, #tpu.memory_space<vmem>>, %arg3: memref<1x1024x256xf32, #tpu.memory_space<vmem>>, %arg4: memref<1x1x256xf32, #tpu.memory_space<vmem>>, %arg5: memref<1x256x1024xf32, #tpu.memory_space<vmem>>, %arg6: memref<1x1x1024xf32, #tpu.memory_space<vmem>>, %arg7: memref<64x1xf32, #tpu.memory_space<vmem>>, %arg8: memref<64x1024xf32, #tpu.memory_space<vmem>>, %arg9: memref<64x1024xf32, #tpu.memory_space<vmem>>) attributes {dimension_semantics = [#tpu.dimension_semantics<arbitrary>, #tpu.dimension_semantics<arbitrary>], iteration_bounds = array<i64: 65, 4>, scalar_prefetch = 0 : i64, scratch_operands = 1 : i64, tpu.core_type = #tpu.core_type<tc>, window_params = [{transform_indices = @transform_0, window_bounds = array<i64: 64, 1024>}, {transform_indices = @transform_1, window_bounds = array<i64: 1, 1024, 256>}, {transform_indices = @transform_2, window_bounds = array<i64: 1, 1, 256>}, {transform_indices = @transform_3, window_bounds = array<i64: 1, 256, 1024>}, {transform_indices = @transform_4, window_bounds = array<i64: 1, 1, 1024>}, {transform_indices = @transform_5, window_bounds = array<i64: 64, 1>}, {transform_indices = @transform_6, window_bounds = array<i64: 64, 1024>}]} {
    %get3A = arith.constant 0 : index
    %get3A_0 = arith.constant 0 : index
    %get3A_1 = vector.load %arg2[%get3A, %get3A_0] : memref<64x1024xf32, #tpu.memory_space<vmem>>, vector<64x1024xf32>
    %get3A_2 = arith.constant 0 : index
    %get3A_3 = arith.constant 0 : index
    %get3A_4 = arith.constant 0 : index
    %get3A_5 = vector.load %arg3[%get3A_2, %get3A_3, %get3A_4] : memref<1x1024x256xf32, #tpu.memory_space<vmem>>, vector<1x1024x256xf32>
    %get3A_6 = vector.shape_cast %get3A_5 : vector<1x1024x256xf32> to vector<1024x256xf32>
    %dot_general3A = arith.constant dense<0.000000e+00> : vector<64x256xf32>
    %dot_general3A_7 = tpu.matmul %get3A_1, %get3A_6, %dot_general3A {dimension_numbers = #tpu.dot_dimension_numbers<[1], [0], [0], [1], [0, 0, 1, 1], [], []>, transpose_lhs_hint = false} : vector<64x1024xf32>, vector<1024x256xf32>, vector<64x256xf32> -> vector<64x256xf32>
    %get3A_8 = arith.constant 0 : index
    %get3A_9 = arith.constant 0 : index
    %get3A_10 = arith.constant 0 : index
    %get3A_11 = vector.load %arg4[%get3A_8, %get3A_9, %get3A_10] : memref<1x1x256xf32, #tpu.memory_space<vmem>>, vector<1x1x256xf32>
    %get3A_12 = vector.shape_cast %get3A_11 : vector<1x1x256xf32> to vector<1x256xf32>
    %add3A = vector.broadcast %get3A_12 : vector<1x256xf32> to vector<64x256xf32>
    %add3A_13 = arith.addf %dot_general3A_7, %add3A : vector<64x256xf32>
    %max3A = arith.constant 0.000000e+00 : f32
    %max3A_14 = vector.broadcast %max3A : f32 to vector<64x256xf32>
    %max3A_15 = arith.maximumf %add3A_13, %max3A_14 : vector<64x256xf32>
    %get3A_16 = arith.constant 0 : index
    %get3A_17 = arith.constant 0 : index
    %get3A_18 = arith.constant 0 : index
    %get3A_19 = vector.load %arg5[%get3A_16, %get3A_17, %get3A_18] : memref<1x256x1024xf32, #tpu.memory_space<vmem>>, vector<1x256x1024xf32>
    %get3A_20 = vector.shape_cast %get3A_19 : vector<1x256x1024xf32> to vector<256x1024xf32>
    %dot_general3A_21 = arith.constant dense<0.000000e+00> : vector<64x1024xf32>
    %dot_general3A_22 = tpu.matmul %max3A_15, %get3A_20, %dot_general3A_21 {dimension_numbers = #tpu.dot_dimension_numbers<[1], [0], [0], [1], [0, 0, 1, 1], [], []>, transpose_lhs_hint = false} : vector<64x256xf32>, vector<256x1024xf32>, vector<64x1024xf32> -> vector<64x1024xf32>
    %eq3A = arith.constant 0 : i32
    %eq3A_23 = arith.cmpi eq, %arg1, %eq3A : i32
    %convert_element_type3A = arith.extui %eq3A_23 : i1 to i32
    %cond3A = arith.constant 0 : i32
    %cond3A_24 = arith.cmpi ne, %convert_element_type3A, %cond3A : i32
    scf.if %cond3A_24 {
      %swap3A = arith.constant 0 : index
      %swap3A_34 = arith.constant 0 : index
      %swap3A_35 = vector.load %arg9[%swap3A, %swap3A_34] : memref<64x1024xf32, #tpu.memory_space<vmem>>, vector<64x1024xf32>
      tpu.vector_store %arg9[%swap3A, %swap3A_34], %dot_general3A_22 {strides = array<i32>} : memref<64x1024xf32, #tpu.memory_space<vmem>>, vector<64x1024xf32>,
    } else {
    }
    %gt3A = arith.constant 0 : i32
    %gt3A_25 = arith.cmpi sgt, %arg1, %gt3A : i32
    %convert_element_type3A_26 = arith.extui %gt3A_25 : i1 to i32
    %cond3A_27 = arith.constant 0 : i32
    %cond3A_28 = arith.cmpi ne, %convert_element_type3A_26, %cond3A_27 : i32
    scf.if %cond3A_28 {
      %get3A_34 = arith.constant 0 : index
      %get3A_35 = arith.constant 0 : index
      %get3A_36 = vector.load %arg9[%get3A_34, %get3A_35] : memref<64x1024xf32, #tpu.memory_space<vmem>>, vector<64x1024xf32>
      %add3A_37 = arith.addf %get3A_36, %dot_general3A_22 : vector<64x1024xf32>
      %swap3A = arith.constant 0 : index
      %swap3A_38 = arith.constant 0 : index
      %swap3A_39 = vector.load %arg9[%swap3A, %swap3A_38] : memref<64x1024xf32, #tpu.memory_space<vmem>>, vector<64x1024xf32>
      tpu.vector_store %arg9[%swap3A, %swap3A_38], %add3A_37 {strides = array<i32>} : memref<64x1024xf32, #tpu.memory_space<vmem>>, vector<64x1024xf32>,
    } else {
    }
    %eq3A_29 = arith.constant 3 : i32
    %eq3A_30 = arith.cmpi eq, %arg1, %eq3A_29 : i32
    %convert_element_type3A_31 = arith.extui %eq3A_30 : i1 to i32
    %cond3A_32 = arith.constant 0 : i32
    %cond3A_33 = arith.cmpi ne, %convert_element_type3A_31, %cond3A_32 : i32
    scf.if %cond3A_33 {
      %lt3A = arith.constant 64 : i32
      %lt3A_34 = arith.cmpi slt, %arg0, %lt3A : i32
      %get3A_35 = arith.constant 0 : index
      %get3A_36 = arith.constant 0 : index
      %get3A_37 = vector.load %arg7[%get3A_35, %get3A_36] : memref<64x1xf32, #tpu.memory_space<vmem>>, vector<64x1xf32>
      %jit3A = arith.constant 0.000000e+00 : f32
      %broadcast_in_dim3A = vector.broadcast %jit3A : f32 to vector<64x1xf32>
      %select_n3A = arith.select %lt3A_34, %get3A_37, %broadcast_in_dim3A : vector<64x1xf32>
      %get3A_38 = arith.constant 0 : index
      %get3A_39 = arith.constant 0 : index
      %get3A_40 = vector.load %arg9[%get3A_38, %get3A_39] : memref<64x1024xf32, #tpu.memory_space<vmem>>, vector<64x1024xf32>
      %get3A_41 = arith.constant 0 : index
      %get3A_42 = arith.constant 0 : index
      %get3A_43 = arith.constant 0 : index
      %get3A_44 = vector.load %arg6[%get3A_41, %get3A_42, %get3A_43] : memref<1x1x1024xf32, #tpu.memory_space<vmem>>, vector<1x1x1024xf32>
      %get3A_45 = vector.shape_cast %get3A_44 : vector<1x1x1024xf32> to vector<1x1024xf32>
      %add3A_46 = vector.broadcast %get3A_45 : vector<1x1024xf32> to vector<64x1024xf32>
      %add3A_47 = arith.addf %get3A_40, %add3A_46 : vector<64x1024xf32>
      %mul3A = vector.broadcast %select_n3A : vector<64x1xf32> to vector<64x1024xf32>
      %mul3A_48 = arith.mulf %add3A_47, %mul3A : vector<64x1024xf32>
      %swap3A = arith.constant 0 : index
      %swap3A_49 = arith.constant 0 : index
      %swap3A_50 = vector.load %arg8[%swap3A, %swap3A_49] : memref<64x1024xf32, #tpu.memory_space<vmem>>, vector<64x1024xf32>
      tpu.vector_store %arg8[%swap3A, %swap3A_49], %mul3A_48 {strides = array<i32>} : memref<64x1024xf32, #tpu.memory_space<vmem>>, vector<64x1024xf32>,
    } else {
    }
    return
  }
  func.func @transform_0(%arg0: i32, %arg1: i32) -> (i32, i32) {
    %min3A = arith.constant 63 : i32
    %min3A_0 = arith.minsi %arg0, %min3A : i32
    %c0_i32 = arith.constant 0 : i32
    %c0_i32_1 = arith.constant 0 : i32
    return %min3A_0, %c0_i32 : i32, i32
  }
  func.func @transform_1(%arg0: i32, %arg1: i32) -> (i32, i32, i32) {
    %min3A = arith.constant 63 : i32
    %min3A_0 = arith.minsi %arg0, %min3A : i32
    %c0_i32 = arith.constant 0 : i32
    %c0_i32_1 = arith.constant 0 : i32
    return %min3A_0, %c0_i32, %arg1 : i32, i32, i32
  }
  func.func @transform_2(%arg0: i32, %arg1: i32) -> (i32, i32, i32) {
    %min3A = arith.constant 63 : i32
    %min3A_0 = arith.minsi %arg0, %min3A : i32
    %c0_i32 = arith.constant 0 : i32
    %c0_i32_1 = arith.constant 0 : i32
    return %min3A_0, %c0_i32, %arg1 : i32, i32, i32
  }
  func.func @transform_3(%arg0: i32, %arg1: i32) -> (i32, i32, i32) {
    %min3A = arith.constant 63 : i32
    %min3A_0 = arith.minsi %arg0, %min3A : i32
    %c0_i32 = arith.constant 0 : i32
    %c0_i32_1 = arith.constant 0 : i32
    return %min3A_0, %arg1, %c0_i32 : i32, i32, i32
  }
  func.func @transform_4(%arg0: i32, %arg1: i32) -> (i32, i32, i32) {
    %min3A = arith.constant 63 : i32
    %min3A_0 = arith.minsi %arg0, %min3A : i32
    %c0_i32 = arith.constant 0 : i32
    %c0_i32_1 = arith.constant 0 : i32
    %c0_i32_2 = arith.constant 0 : i32
    return %min3A_0, %c0_i32, %c0_i32_1 : i32, i32, i32
  }
  func.func @transform_5(%arg0: i32, %arg1: i32) -> (i32, i32) {
    %min3A = arith.constant 63 : i32
    %min3A_0 = arith.minsi %arg0, %min3A : i32
    %c0_i32 = arith.constant 0 : i32
    %c0_i32_1 = arith.constant 0 : i32
    return %min3A_0, %c0_i32 : i32, i32
  }
  func.func @transform_6(%arg0: i32, %arg1: i32) -> (i32, i32) {
    %c0_i32 = arith.constant 0 : i32
    %c0_i32_0 = arith.constant 0 : i32
    return %arg0, %c0_i32 : i32, i32
  }
}

</mosaic_0001>

<sc_bundles>
// kernel: kernel.6.cloned.1.call-start
scs
__scs_entry_jumppad:
0x0: {  	(pc) =	sbr.rel $0x88, $3  }
0x1: {  	(tag) =	ssettag $0x0;
	lr =	simm.s32 $0x1  }
0x2: {  	[smem:$0x3F9B] =	sst lr;
	_ =	strace $0xD0000000  }
0x3: {  	_ = 	snop  }
0x4: {  	_ = 	snop  }
0x5: {  	_ = 	snop  }
0x6: {  	_ = 	snop  }
0x7: {  	_ = 	snop  }
__scs_overlays_trampoline_lowered:
0x8: {  	[smem:$0x3FAA] =	sst s0  }
0x9: {  	[smem:$0x3FAB] =	sst s1  }
0xa: {  	[smem:$0x3FAC] =	sst s2  }
0xb: {  	[smem:$0x3FAD] =	sst s3  }
0xc: {  	[smem:$0x3FAE] =	sst s4  }
0xd: {  	[smem:$0x3FAF] =	sst s5  }
0xe: {  	[smem:$0x3FB0] =	sst s6  }
0xf: {  	[smem:$0x3FB1] =	sst s7  }
0x10: {  	[smem:$0x3FB2] =	sst s8  }
0x11: {  	[smem:$0x3FB3] =	sst s9;
	s0 =	simm.s32 @!p0 $0x0  }
0x12: {  	s1 =	sld [smem:$0x3F99];
	s0 =	simm.s32 @p0 $0x1  }
0x13: {  	[smem:$0x3FB4] =	sst s0;
	s0 =	simm.s32 @!p1 $0x0  }
0x14: {  	s2 =	sld [smem:$0x3F98];
	s0 =	simm.s32 @p1 $0x1  }
0x15: {  	[smem:$0x3FB5] =	sst s0;
	s0 =	simm.s32 @!p2 $0x0  }
0x16: {  	s3 =	sld [smem:$0x3FDB];
	s0 =	simm.s32 @p2 $0x1  }
0x17: {  	s4 =	simm.s32 $0x1BF5;
	[smem:$0x3FB7] =	sst s0  }
0x18: {  	s0 =	sld [smem:$0x3F9A];
	_ =	swait.ge [sflag:s4], $0x0  }
0x19: {  	s7 =	sld [smem:$0x3F9B]  }
0x1a: {  	s8 =	sadd.s32 $0xFFFFE003, lr  }
0x1b: {  	s9 =	sadd.s32 $0xFFFFFEF7, lr;
	s5 =	simm.s32 $0xFFFFFFFF;
	p2 =	slt.u32 s8, $0xFFFFF086  }
0x1c: {  	p1 =	slt.u32 s9, $0xF7A;
	s5 =	simm.s32 @!p2 $0x0  }
0x1d: {  	s5 =	simm.s32 @p1 $0x1;
	p0 =	seq.s32 s7, s2  }
0x1e: {  	s7 =	smul.u32 @!p0 $0xF7A, s2;
	p2 =	seq.s32 @!p0 s5, $0x0  }
0x1f: {  	s9 =	smul.u32 $0xF7A, s1;
	s8 =	simm.s32 @!p0 $0x1BF5;
	p2 =	por !p2, p0  }
0x20: {  	[sflag:s8] =	ssyncset.s32 @!p0 $0xFFFFF086;
	s6 =	sadd.s32 @!p0 s3, s7;
	s7 =	simm.s32 @!p0 $0x108  }
0x21: {  	s3 =	sadd.s32 s3, s9;
	s6 =	sadd.s32 @!p0 $0x88, s6;
	s7 =	simm.s32 @p2 $0x1082  }
0x22: {  	[simem:s7], [sflag:s8] =	dma.local @!p0 [hbm:s6], $0xF7A  }
0x23: {  	s9 =	sor.u32 $0xD0000000, s2;
	s6 =	simm.s32 $0x108;
	_ =	swait.ge @!p0 [sflag:s8], $0x0  }
0x24: {  	s3 =	sadd.s32 $0x88, s3;
	s6 =	simm.s32 @!p1 $0x1082;
	[sflag:s4] =	ssyncset.s32 $0xFFFFF086  }
0x25: {  	[simem:s6], [sflag:s4] =	dma.local [hbm:s3], $0xF7A  }
0x26: {  	[smem:$0x3F9B] =	sst s1;
	(tag) =	ssettag s2;
	_ =	strace s9  }
0x27: {  	s1 =	sld [smem:$0x3FAB]  }
0x28: {  	s2 =	sld [smem:$0x3FAC]  }
0x29: {  	s4 =	sld [smem:$0x3FAE]  }
0x2a: {  	p0 =	seq.s32 s5, $0x0;
	s5 =	sld [smem:$0x3FAF]  }
0x2b: {  	s6 =	sld [smem:$0x3FB0]  }
0x2c: {  	s7 =	sld [smem:$0x3FB1]  }
0x2d: {  	s3 =	simm.s32 $0x108;
	s8 =	sld [smem:$0x3FB2]  }
0x2e: {  	s3 =	simm.s32 @!p0 $0x1082;
	s9 =	sld [smem:$0x3FB3]  }
0x2f: {  	lr =	sadd.s32 s0, s3;
	s0 =	sld [smem:$0x3FAA]  }
0x30: {  	s3 =	sld [smem:$0x3FAD]  }
0x31: {  	[smem:$0x3FB6] =	sst s10  }
0x32: {  	s10 =	sld [smem:$0x3FB4];
	_ =	sdelay $0x3  }
0x33: {  	p0 =	seq.s32 s10, $0x1;
	s10 =	sld [smem:$0x3FB6];
	_ =	sdelay $0x3  }
0x34: {  	[smem:$0x3FB6] =	sst s10  }
0x35: {  	s10 =	sld [smem:$0x3FB5];
	_ =	sdelay $0x3  }
0x36: {  	p1 =	seq.s32 s10, $0x1;
	s10 =	sld [smem:$0x3FB6];
	_ =	sdelay $0x3  }
0x37: {  	[smem:$0x3FB6] =	sst s10  }
0x38: {  	s10 =	sld [smem:$0x3FB7]  }
0x39: {  	_ = 	snop;
	(pc) =	sbr.ind lr, $3  }
0x3a: {  	_ = 	snop  }
0x3b: {  	_ = 	snop  }
0x3c: {  	p2 =	seq.s32 s10, $0x1;
	s10 =	sld [smem:$0x3FB6]  }
0x3d: {  	_ =	shalt  }
0x3e: {  	_ =	shalt  }
0x3f: {  	_ =	shalt  }
0x40: {  	_ =	shalt  }
0x41: {  	_ =	shalt  }
0x42: {  	_ =	shalt  }
0x43: {  	_ =	shalt  }
0x44: {  	_ =	shalt  }
0x45: {  	_ =	shalt  }
0x46: {  	_ =	shalt  }
0x47: {  	_ =	shalt  }
0x48: {  	_ =	shalt  }
0x49: {  	_ =	shalt  }
0x4a: {  	_ =	shalt  }
0x4b: {  	_ =	shalt  }
0x4c: {  	_ =	shalt  }
0x4d: {  	_ =	shalt  }
0x4e: {  	_ =	shalt  }
0x4f: {  	_ =	shalt  }
0x50: {  	_ =	shalt  }
0x51: {  	_ =	shalt  }
0x52: {  	_ =	shalt  }
0x53: {  	_ =	shalt  }
0x54: {  	_ =	shalt  }
0x55: {  	_ =	shalt  }
0x56: {  	_ =	shalt  }
0x57: {  	_ =	shalt  }
0x58: {  	_ =	shalt  }
0x59: {  	_ =	shalt  }
0x5a: {  	_ =	shalt  }
0x5b: {  	_ =	shalt  }
0x5c: {  	_ =	shalt  }
0x5d: {  	_ =	shalt  }
0x5e: {  	_ =	shalt  }
0x5f: {  	_ =	shalt  }
0x60: {  	_ =	shalt  }
0x61: {  	_ =	shalt  }
0x62: {  	_ =	shalt  }
0x63: {  	_ =	shalt  }
0x64: {  	_ =	shalt  }
0x65: {  	_ =	shalt  }
0x66: {  	_ =	shalt  }
0x67: {  	_ =	shalt  }
0x68: {  	_ =	shalt  }
0x69: {  	_ =	shalt  }
0x6a: {  	_ =	shalt  }
0x6b: {  	_ =	shalt  }
0x6c: {  	_ =	shalt  }
0x6d: {  	_ =	shalt  }
0x6e: {  	_ =	shalt  }
0x6f: {  	_ =	shalt  }
0x70: {  	_ =	shalt  }
0x71: {  	_ =	shalt  }
0x72: {  	_ =	shalt  }
0x73: {  	_ =	shalt  }
0x74: {  	_ =	shalt  }
0x75: {  	_ =	shalt  }
0x76: {  	_ =	shalt  }
0x77: {  	_ =	shalt  }
0x78: {  	_ =	shalt  }
0x79: {  	_ =	shalt  }
0x7a: {  	_ =	shalt  }
0x7b: {  	_ =	shalt  }
0x7c: {  	_ =	shalt  }
0x7d: {  	_ =	shalt  }
0x7e: {  	_ =	shalt  }
0x7f: {  	_ =	shalt  }
0x80: {  	_ =	shalt  }
0x81: {  	_ =	shalt  }
0x82: {  	_ =	shalt  }
0x83: {  	_ =	shalt  }
0x84: {  	_ =	shalt  }
0x85: {  	_ =	shalt  }
0x86: {  	_ =	shalt  }
0x87: {  	_ =	shalt  }
.Lfunc_end0:
.L_simem_size_0:
called_computation_lowered:
.L_overlay_start_0:
0x88: {  	s2 =	sld [smem:$0x3FD9]  }
0x89: {  	s3 =	sld [smem:$0x3FFE];
	_ =	sdelay $0x1  }
0x8a: {  	s1 =	srdreg.scid  }
0x8b: {  	s0 =	sand.u32 $0x1, s1  }
0x8c: {  	s17 =	sshll.u32 s0, $0xA;
	s2 =	sadd.s32 s3, s2  }
0x8d: {  	s2 =	sadd.s32 s2, s17  }
0x8e: {  	[smem:$0x3FC2] =	sst s2  }
0x8f: {  	_ = 	snop  }
0x90: {  	s2 =	sld [smem:$0x3FC9]  }
0x91: {  	s18 =	sld [smem:$0x3FD0];
	(tm) =	ssettm $0x1  }
0x92: {  	s4 =	sld [smem:$0x3FFB];
	_ =	sdelay $0x3  }
0x93: {  	_ =	strace s4  }
0x94: {  	s4 =	sld [smem:$0x3FFC];
	_ =	sdelay $0x3  }
0x95: {  	_ =	strace s4  }
0x96: {  	s4 =	sld [smem:$0x3FFD];
	_ =	sdelay $0x3  }
0x97: {  	_ =	strace s4  }
0x98: {  	_ =	strace $0x8FFFFFFF  }
0x99: {  	s19 =	sld [smem:$0x3FDB];
	_ =	sdelay $0x1  }
0x9a: {  	s5 =	simm.s32 $_scs_section_size  }
0x9b: {  	s6 =	simm.s32 $_size__tile_overlayer_lowered;
	s7 =	simm.s32 $_tile_overlayer_lowered  }
0x9c: {  	s22 =	simm.s32 $0x1BFF;
	s21 =	sshll.u32 s7, $0x1;
	s4 =	sadd.s32 s5, s19  }
0x9d: {  	s8 =	simm.s32 $0x0;
	s20 =	sshll.u32 s6, $0x1;
	s6 =	sadd.s32 s21, s4  }
0x9e: {  	[timem:s8], [sflag:s22] =	dma.local [hbm:s6], s20  }
0x9f: {  	_ =	swait.ge [sflag:s22], s20  }
0xa0: {  	s5 =	ssub.s32 $0x0, s20;
	[sflag:s22] =	ssyncset.done $0x0  }
0xa1: {  	[sflag:s22] =	ssyncadd.s32 s5;
	_ =	sdelay $0x1  }
0xa2: {  	s23 =	simm.s32 $0x1B8B  }
0xa3: {  	_ =	swait.ge [sflag:s23], $0x1  }
0xa4: {  	[sflag:s23] =	ssyncset.done $0x0  }
0xa5: {  	s25 =	simm.s32 $0x1B8E;
	s24 =	sld [smem:$0x3FFE];
	[sflag:s23] =	ssyncadd.s32 $0xFFFFFFFF  }
0xa6: {  	s26 =	simm.s32 $execute0_lowered;
	[smem:$0x3FD2] =	sst s25  }
0xa7: {  	s6 =	sshll.u32 s26, $0x1;
	_ =	strace $0x80000046;
	[dreg:$0x1] =	wrdreg $0xFFFFFFFF  }
0xa8: {  	s28 =	simm.s32 $_size_execute0_lowered;
	s4 =	sadd.s32 s4, s6;
	[dreg:$0x0] =	wrdreg $0x0  }
0xa9: {  	s6 =	sshll.u32 s28, $0x1;
	[dreg:$0x2] =	wrdreg s4  }
0xaa: {  	[dreg:$0x3] =	wrdreg s6  }
0xab: {  	[dreg:$0x4] =	wrdreg $0xC0  }
0xac: {  	_ =	task [dreg:s8], $0x5FFFF  }
0xad: {  	[dreg:$0x1] =	wrdreg $0xFFFFFFFF  }
0xae: {  	[dreg:$0x0] =	wrdreg $0x60  }
0xaf: {  	[dreg:$0x2] =	wrdreg s24  }
0xb0: {  	[dreg:$0x3] =	wrdreg s2  }
0xb1: {  	[dreg:$0x4] =	wrdreg s18  }
0xb2: {  	[dreg:$0x5] =	wrdreg $0x9  }
0xb3: {  	_ =	task.clear_ibuf [dreg:s8], $0x6FFFF;
	_ =	strace $0x90000046  }
0xb4: {  	s29 =	simm.s32 $0x9;
	_ =	strace $0x80000048  }
0xb5: {  	_ =	swait.ge [sflag:s29], $0x1  }
0xb6: {  	[sflag:s29] =	ssyncadd.s32 $0xFFFFFFFF  }
0xb7: {  	_ =	strace $0x90000048  }
0xb8: {  	_ =	sfence  }
0xb9: {  	s30 =	sld [smem:$0x0];
	_ =	sdelay $0x2  }
0xba: {  	s31 =	sshll.u32 s1, $0xD;
	s1 =	sshrl.u32 s1, $0x2  }
0xbb: {  	s3 =	sand.u32 $0x4000, s31;
	s1 =	sadd.s32 s1, s30  }
0xbc: {  	s0 =	sor.u32 s3, s0;
	s1 =	sshll.u32 s1, $0x11  }
0xbd: {  	s0 =	sor.u32 s1, s0  }
0xbe: {  	s0 =	sadd.s32 $0x8F2B, s0  }
0xbf: {  	[sflag:s0] =	ssyncadd.remote.s32 $0x1  }
0xc0: {  	_ =	sfence.sel $0xFFFF  }
0xc1: {  	[dreg:$0x0] =	wrdreg $0xFFFFFFFF;
	(pc) =	sbr.abs _section_cstart, $3  }
0xc2: {  	[dreg:$0x1] =	wrdreg $0xFFFFFFFF  }
0xc3: {  	_ =	task.clear_ibuf [dreg:s8], $0x2FFFF;
	_ =	strace $0x9FFFFFFF  }
0xc4: {  	(tm) =	ssettm $0x7FFFFFFF  }
0xc5: {  	_ =	shalt  }
tec
execute0_lowered:
.L_overlay_start_1:
0x0: {  	(tag) =	ssettag $0x1  }
0x1: {  	s0 =	rddreg [dreg:$0x0]  }
0x2: {  	s2 =	rddreg [dreg:$0x1]  }
0x3: {  	s1 =	rddreg [dreg:$0x2]  }
0x4: {  	s3 =	srdreg.scid;
	s5 =	stileid.u32  }
0x5: {  	s18 =	simm.s32 $0x1;
	s20 =	simm.s32 $0x880;
	s21 =	simm.s32 $0x1080  }
0x6: {  	s22 =	simm.s32 $0x1880;
	s23 =	simm.s32 $0x2080;
	s24 =	simm.s32 $0x2880  }
0x7: {  	s28 =	simm.s32 $0x4080;
	s29 =	simm.s32 $0x4880;
	s30 =	simm.s32 $0x5080  }
0x8: {  	s31 =	simm.s32 $0x5880;
	s10 =	simm.s32 $0x7080;
	s11 =	simm.s32 $0x7880  }
0x9: {  	s12 =	simm.s32 $0x8080;
	s13 =	simm.s32 $0x8880;
	s14 =	simm.s32 $0x9080  }
0xa: {  	s15 =	simm.s32 $0x9880;
	s16 =	simm.s32 $0xA080;
	s17 =	simm.s32 $0xA880  }
0xb: {  	s4 =	sand.u32 $0x1, s3;
	s3 =	simm.s32 $0x0;
	s5 =	sshll.u32 s5, $0x8  }
0xc: {  	s0 =	sadd.s32 $0xE00, s0;
	s6 =	sshll.u32 s4, $0x7;
	s4 =	ssub.s32 $0x2, s4  }
0xd: {  	[smem:$0x7FF] =	sst s3;
	s5 =	sor.u32 s6, s5;
	s7 =	sshrl.u32 s4, $0x1  }
0xe: {  	_ =	strace $0x80000047;
	s6 =	sshrl.u32 s5, $0x3;
	s7 =	ssub.s32 s4, s7  }
0xf: {  	s4 =	sadd.s32 $0x100, s2;
	s25 =	sshll.u32 s5, $0x7;
	s8 =	sor.u32 $0x40, s5  }
0x10: {  	s5 =	sadd.s32 $0x200, s2;
	s6 =	sadd.s32 s0, s6;
	s9 =	sshrl.u32 s8, $0x3  }
0x11: {  	s8 =	sshll.u32 s8, $0x7;
	s7 =	smax.u32 s7, $0x1;
	[dreg:$0x4] =	wrdreg s6  }
0x12: {  	s6 =	sadd.s32 s1, s25;
	s0 =	sadd.s32 s0, s9;
	s26 =	sadd.s32 s1, s8  }
0x13: {  	v2 =	vlaneseq.u32;
	s8 =	simm.s32 $0x2;
	s25 =	simm.s32 $0x3080;
	[dreg:$0x5] =	wrdreg s6  }
0x14: {  	vm0 =	vmmov $0xffff;
	v1 =	vshrl.u32 v2, $0x3;
	s9 =	simm.s32 $0xB080;
	s6 =	sadd.s32 $0x300, s2;
	[dreg:$0x6] =	wrdreg s0  }
0x15: {  	v0 =	vand.u32 $0x7, v2;
	v2 =	vor.u32 $0x8, v2;
	v1 =	vmul.u32 $0x8, v1;
	[dreg:$0x7] =	wrdreg s26;
	s0 =	simm.s32 $0x80;
	s26 =	simm.s32 $0x3880  }
.LBB2_1:
0x16: {  	s19 =	rddreg [dreg:$0x4]  }
0x17: {  	[tilespmem:s3], [sflag:$0x2] =	stream.linear.gather [hbm4b:s19+s3], $0x40, $0x38;
	[tilespmem:$0x10080] =	vst v63  }
0x18: {  	_ =	swait.ge [sflag:s8], $0x40  }
0x19: {  	[sflag:s8] =	ssyncset.done $0x0  }
0x1a: {  	[sflag:s8] =	ssyncadd.s32 $0xFFFFFFC0  }
0x1b: {  	v3 =	vld [tilespmem:$0x0];
	_ =	sdelay $0x4  }
0x1c: {  	v4 =	vshll.u32 v3, $0x3  }
0x1d: {  	v3 =	vand.u32 $0x7, v3;
	v4 =	vand.u32 $0xFFFFFFC0, v4  }
0x1e: {  	v3 =	vor.u32 v3, v4  }
0x1f: {  	v4 =	vperm.xlane v3, v0;
	_ =	sdelay $0x1  }
0x20: {  	v4 =	vadd.s32 v1, v4;
	_ =	sdelay $0x4  }
0x21: {  	[tilespmem:s0], [sflag:$0x1] =	stream.indirect_vreg.gather [hbm4b:s2+s3], $0x80, v4, vm0, $0xb8;
	[tilespmem:$0x10080] =	vst v63  }
0x22: {  	v3 =	vperm.xlane v3, v2  }
0x23: {  	[tilespmem:s20], [sflag:$0x1] =	stream.indirect_vreg.gather [hbm4b:s4+s3], $0x80, v4, vm0, $0xb8;
	[tilespmem:$0x10080] =	vst v63  }
0x24: {  	v3 =	vadd.s32 v1, v3  }
0x25: {  	[tilespmem:s21], [sflag:$0x1] =	stream.indirect_vreg.gather [hbm4b:s5+s3], $0x80, v4, vm0, $0xb8;
	[tilespmem:$0x10080] =	vst v63  }
0x26: {  	_ = 	snop  }
0x27: {  	[tilespmem:s22], [sflag:$0x1] =	stream.indirect_vreg.gather [hbm4b:s6+s3], $0x80, v4, vm0, $0xb8;
	[tilespmem:$0x10080] =	vst v63  }
0x28: {  	_ = 	snop  }
0x29: {  	[tilespmem:s23], [sflag:$0x1] =	stream.indirect_vreg.gather [hbm4b:s2+s3], $0x80, v3, vm0, $0xb8;
	[tilespmem:$0x10080] =	vst v63  }
0x2a: {  	_ = 	snop  }
0x2b: {  	[tilespmem:s24], [sflag:$0x1] =	stream.indirect_vreg.gather [hbm4b:s4+s3], $0x80, v3, vm0, $0xb8;
	[tilespmem:$0x10080] =	vst v63  }
0x2c: {  	_ = 	snop  }
0x2d: {  	[tilespmem:s25], [sflag:$0x1] =	stream.indirect_vreg.gather [hbm4b:s5+s3], $0x80, v3, vm0, $0xb8;
	[tilespmem:$0x10080] =	vst v63  }
0x2e: {  	_ = 	snop  }
0x2f: {  	[tilespmem:s26], [sflag:$0x1] =	stream.indirect_vreg.gather [hbm4b:s6+s3], $0x80, v3, vm0, $0xb8;
	[tilespmem:$0x10080] =	vst v63  }
0x30: {  	v3 =	vld [tilespmem:$0x10];
	_ =	sdelay $0x4  }
0x31: {  	v57 =	vshll.u32 v3, $0x3  }
0x32: {  	v3 =	vand.u32 $0x7, v3;
	v4 =	vand.u32 $0xFFFFFFC0, v57  }
0x33: {  	v3 =	vor.u32 v3, v4  }
0x34: {  	v4 =	vperm.xlane v3, v0;
	_ =	sdelay $0x1  }
0x35: {  	v4 =	vadd.s32 v1, v4;
	_ =	sdelay $0x4  }
0x36: {  	[tilespmem:s28], [sflag:$0x1] =	stream.indirect_vreg.gather [hbm4b:s2+s3], $0x80, v4, vm0, $0xb8;
	[tilespmem:$0x10080] =	vst v63  }
0x37: {  	v3 =	vperm.xlane v3, v2  }
0x38: {  	[tilespmem:s29], [sflag:$0x1] =	stream.indirect_vreg.gather [hbm4b:s4+s3], $0x80, v4, vm0, $0xb8;
	[tilespmem:$0x10080] =	vst v63  }
0x39: {  	v3 =	vadd.s32 v1, v3  }
0x3a: {  	[tilespmem:s30], [sflag:$0x1] =	stream.indirect_vreg.gather [hbm4b:s5+s3], $0x80, v4, vm0, $0xb8;
	[tilespmem:$0x10080] =	vst v63  }
0x3b: {  	_ = 	snop  }
0x3c: {  	[tilespmem:s31], [sflag:$0x1] =	stream.indirect_vreg.gather [hbm4b:s6+s3], $0x80, v4, vm0, $0xb8;
	[tilespmem:$0x10080] =	vst v63  }
0x3d: {  	s1 =	simm.s32 $0x6080  }
0x3e: {  	[tilespmem:s1], [sflag:$0x1] =	stream.indirect_vreg.gather [hbm4b:s2+s3], $0x80, v3, vm0, $0xb8;
	[tilespmem:$0x10080] =	vst v63  }
0x3f: {  	s1 =	simm.s32 $0x6880  }
0x40: {  	[tilespmem:s1], [sflag:$0x1] =	stream.indirect_vreg.gather [hbm4b:s4+s3], $0x80, v3, vm0, $0xb8;
	[tilespmem:$0x10080] =	vst v63  }
0x41: {  	_ = 	snop  }
0x42: {  	[tilespmem:s10], [sflag:$0x1] =	stream.indirect_vreg.gather [hbm4b:s5+s3], $0x80, v3, vm0, $0xb8;
	[tilespmem:$0x10080] =	vst v63  }
0x43: {  	_ = 	snop  }
0x44: {  	[tilespmem:s11], [sflag:$0x1] =	stream.indirect_vreg.gather [hbm4b:s6+s3], $0x80, v3, vm0, $0xb8;
	[tilespmem:$0x10080] =	vst v63  }
0x45: {  	v3 =	vld [tilespmem:$0x20];
	_ =	sdelay $0x4  }
0x46: {  	v58 =	vshll.u32 v3, $0x3  }
0x47: {  	v3 =	vand.u32 $0x7, v3;
	v4 =	vand.u32 $0xFFFFFFC0, v58  }
0x48: {  	v3 =	vor.u32 v3, v4  }
0x49: {  	v4 =	vperm.xlane v3, v0;
	_ =	sdelay $0x1  }
0x4a: {  	v4 =	vadd.s32 v1, v4;
	_ =	sdelay $0x4  }
0x4b: {  	[tilespmem:s12], [sflag:$0x1] =	stream.indirect_vreg.gather [hbm4b:s2+s3], $0x80, v4, vm0, $0xb8;
	[tilespmem:$0x10080] =	vst v63  }
0x4c: {  	v3 =	vperm.xlane v3, v2  }
0x4d: {  	[tilespmem:s13], [sflag:$0x1] =	stream.indirect_vreg.gather [hbm4b:s4+s3], $0x80, v4, vm0, $0xb8;
	[tilespmem:$0x10080] =	vst v63  }
0x4e: {  	v3 =	vadd.s32 v1, v3  }
0x4f: {  	[tilespmem:s14], [sflag:$0x1] =	stream.indirect_vreg.gather [hbm4b:s5+s3], $0x80, v4, vm0, $0xb8;
	[tilespmem:$0x10080] =	vst v63  }
0x50: {  	_ = 	snop  }
0x51: {  	[tilespmem:s15], [sflag:$0x1] =	stream.indirect_vreg.gather [hbm4b:s6+s3], $0x80, v4, vm0, $0xb8;
	[tilespmem:$0x10080] =	vst v63  }
0x52: {  	_ = 	snop  }
0x53: {  	[tilespmem:s16], [sflag:$0x1] =	stream.indirect_vreg.gather [hbm4b:s2+s3], $0x80, v3, vm0, $0xb8;
	[tilespmem:$0x10080] =	vst v63  }
0x54: {  	_ = 	snop  }
0x55: {  	[tilespmem:s17], [sflag:$0x1] =	stream.indirect_vreg.gather [hbm4b:s4+s3], $0x80, v3, vm0, $0xb8;
	[tilespmem:$0x10080] =	vst v63  }
0x56: {  	_ = 	snop  }
0x57: {  	[tilespmem:s9], [sflag:$0x1] =	stream.indirect_vreg.gather [hbm4b:s5+s3], $0x80, v3, vm0, $0xb8;
	[tilespmem:$0x10080] =	vst v63  }
0x58: {  	s19 =	simm.s32 $0xB880  }
0x59: {  	[tilespmem:s19], [sflag:$0x1] =	stream.indirect_vreg.gather [hbm4b:s6+s3], $0x80, v3, vm0, $0xb8;
	[tilespmem:$0x10080] =	vst v63  }
0x5a: {  	v3 =	vld [tilespmem:$0x30];
	_ =	sdelay $0x4  }
0x5b: {  	v59 =	vshll.u32 v3, $0x3  }
0x5c: {  	v3 =	vand.u32 $0x7, v3;
	v4 =	vand.u32 $0xFFFFFFC0, v59  }
0x5d: {  	v3 =	vor.u32 v3, v4  }
0x5e: {  	v4 =	vperm.xlane v3, v0;
	_ =	sdelay $0x1  }
0x5f: {  	v4 =	vadd.s32 v1, v4;
	_ =	sdelay $0x3  }
0x60: {  	s19 =	simm.s32 $0xC080  }
0x61: {  	[tilespmem:s19], [sflag:$0x1] =	stream.indirect_vreg.gather [hbm4b:s2+s3], $0x80, v4, vm0, $0xb8;
	[tilespmem:$0x10080] =	vst v63  }
0x62: {  	v3 =	vperm.xlane v3, v2;
	s19 =	simm.s32 $0xC880  }
0x63: {  	[tilespmem:s19], [sflag:$0x1] =	stream.indirect_vreg.gather [hbm4b:s4+s3], $0x80, v4, vm0, $0xb8;
	[tilespmem:$0x10080] =	vst v63  }
0x64: {  	v3 =	vadd.s32 v1, v3;
	s19 =	simm.s32 $0xD080  }
0x65: {  	[tilespmem:s19], [sflag:$0x1] =	stream.indirect_vreg.gather [hbm4b:s5+s3], $0x80, v4, vm0, $0xb8;
	[tilespmem:$0x10080] =	vst v63  }
0x66: {  	s19 =	simm.s32 $0xD880  }
0x67: {  	[tilespmem:s19], [sflag:$0x1] =	stream.indirect_vreg.gather [hbm4b:s6+s3], $0x80, v4, vm0, $0xb8;
	[tilespmem:$0x10080] =	vst v63  }
0x68: {  	s19 =	simm.s32 $0xE080  }
0x69: {  	[tilespmem:s19], [sflag:$0x1] =	stream.indirect_vreg.gather [hbm4b:s2+s3], $0x80, v3, vm0, $0xb8;
	[tilespmem:$0x10080] =	vst v63  }
0x6a: {  	s19 =	simm.s32 $0xE880  }
0x6b: {  	[tilespmem:s19], [sflag:$0x1] =	stream.indirect_vreg.gather [hbm4b:s4+s3], $0x80, v3, vm0, $0xb8;
	[tilespmem:$0x10080] =	vst v63  }
0x6c: {  	s19 =	simm.s32 $0xF080  }
0x6d: {  	[tilespmem:s19], [sflag:$0x1] =	stream.indirect_vreg.gather [hbm4b:s5+s3], $0x80, v3, vm0, $0xb8;
	[tilespmem:$0x10080] =	vst v63  }
0x6e: {  	s19 =	simm.s32 $0xF880  }
0x6f: {  	[tilespmem:s19], [sflag:$0x1] =	stream.indirect_vreg.gather [hbm4b:s6+s3], $0x80, v3, vm0, $0xb8;
	[tilespmem:$0x10080] =	vst v63  }
0x70: {  	_ =	swait.ge [sflag:s18], $0x10000  }
0x71: {  	[sflag:s18] =	ssyncset.done $0x0  }
0x72: {  	s19 =	rddreg [dreg:$0x5];
	[sflag:s18] =	ssyncadd.s32 $0xFFFF0000  }
0x73: {  	[hbm4b:s19+s3] =	stream.linear.scatter [tilespmem:s0], [sflag:$0x2], $0x10000, $0x38;
	[tilespmem:$0x10080] =	vst v63  }
0x74: {  	_ =	swait.ge [sflag:s8], $0x10000  }
0x75: {  	[sflag:s8] =	ssyncset.done $0x0  }
0x76: {  	s19 =	rddreg [dreg:$0x6];
	[sflag:s8] =	ssyncadd.s32 $0xFFFF0000  }
0x77: {  	[tilespmem:s3], [sflag:$0x2] =	stream.linear.gather [hbm4b:s19+s3], $0x40, $0x38;
	[tilespmem:$0x10080] =	vst v63  }
0x78: {  	_ =	swait.ge [sflag:s8], $0x40  }
0x79: {  	[sflag:s8] =	ssyncset.done $0x0  }
0x7a: {  	[sflag:s8] =	ssyncadd.s32 $0xFFFFFFC0  }
0x7b: {  	v3 =	vld [tilespmem:$0x0];
	_ =	sdelay $0x4  }
0x7c: {  	v60 =	vshll.u32 v3, $0x3  }
0x7d: {  	v3 =	vand.u32 $0x7, v3;
	v4 =	vand.u32 $0xFFFFFFC0, v60  }
0x7e: {  	v3 =	vor.u32 v3, v4  }
0x7f: {  	v4 =	vperm.xlane v3, v0;
	_ =	sdelay $0x1  }
0x80: {  	v4 =	vadd.s32 v1, v4;
	_ =	sdelay $0x4  }
0x81: {  	[tilespmem:s0], [sflag:$0x1] =	stream.indirect_vreg.gather [hbm4b:s2+s3], $0x80, v4, vm0, $0xb8;
	[tilespmem:$0x10080] =	vst v63  }
0x82: {  	v3 =	vperm.xlane v3, v2  }
0x83: {  	[tilespmem:s20], [sflag:$0x1] =	stream.indirect_vreg.gather [hbm4b:s4+s3], $0x80, v4, vm0, $0xb8;
	[tilespmem:$0x10080] =	vst v63  }
0x84: {  	v3 =	vadd.s32 v1, v3  }
0x85: {  	[tilespmem:s21], [sflag:$0x1] =	stream.indirect_vreg.gather [hbm4b:s5+s3], $0x80, v4, vm0, $0xb8;
	[tilespmem:$0x10080] =	vst v63  }
0x86: {  	_ = 	snop  }
0x87: {  	[tilespmem:s22], [sflag:$0x1] =	stream.indirect_vreg.gather [hbm4b:s6+s3], $0x80, v4, vm0, $0xb8;
	[tilespmem:$0x10080] =	vst v63  }
0x88: {  	_ = 	snop  }
0x89: {  	[tilespmem:s23], [sflag:$0x1] =	stream.indirect_vreg.gather [hbm4b:s2+s3], $0x80, v3, vm0, $0xb8;
	[tilespmem:$0x10080] =	vst v63  }
0x8a: {  	_ = 	snop  }
0x8b: {  	[tilespmem:s24], [sflag:$0x1] =	stream.indirect_vreg.gather [hbm4b:s4+s3], $0x80, v3, vm0, $0xb8;
	[tilespmem:$0x10080] =	vst v63  }
0x8c: {  	_ = 	snop  }
0x8d: {  	[tilespmem:s25], [sflag:$0x1] =	stream.indirect_vreg.gather [hbm4b:s5+s3], $0x80, v3, vm0, $0xb8;
	[tilespmem:$0x10080] =	vst v63  }
0x8e: {  	_ = 	snop  }
0x8f: {  	[tilespmem:s26], [sflag:$0x1] =	stream.indirect_vreg.gather [hbm4b:s6+s3], $0x80, v3, vm0, $0xb8;
	[tilespmem:$0x10080] =	vst v63  }
0x90: {  	v3 =	vld [tilespmem:$0x10];
	_ =	sdelay $0x4  }
0x91: {  	v61 =	vshll.u32 v3, $0x3  }
0x92: {  	v3 =	vand.u32 $0x7, v3;
	v4 =	vand.u32 $0xFFFFFFC0, v61  }
0x93: {  	v3 =	vor.u32 v3, v4  }
0x94: {  	v4 =	vperm.xlane v3, v0;
	_ =	sdelay $0x1  }
0x95: {  	v4 =	vadd.s32 v1, v4;
	_ =	sdelay $0x4  }
0x96: {  	[tilespmem:s28], [sflag:$0x1] =	stream.indirect_vreg.gather [hbm4b:s2+s3], $0x80, v4, vm0, $0xb8;
	[tilespmem:$0x10080] =	vst v63  }
0x97: {  	v3 =	vperm.xlane v3, v2  }
0x98: {  	[tilespmem:s29], [sflag:$0x1] =	stream.indirect_vreg.gather [hbm4b:s4+s3], $0x80, v4, vm0, $0xb8;
	[tilespmem:$0x10080] =	vst v63  }
0x99: {  	v3 =	vadd.s32 v1, v3  }
0x9a: {  	[tilespmem:s30], [sflag:$0x1] =	stream.indirect_vreg.gather [hbm4b:s5+s3], $0x80, v4, vm0, $0xb8;
	[tilespmem:$0x10080] =	vst v63  }
0x9b: {  	_ = 	snop  }
0x9c: {  	[tilespmem:s31], [sflag:$0x1] =	stream.indirect_vreg.gather [hbm4b:s6+s3], $0x80, v4, vm0, $0xb8;
	[tilespmem:$0x10080] =	vst v63  }
0x9d: {  	s19 =	simm.s32 $0x6080  }
0x9e: {  	[tilespmem:s19], [sflag:$0x1] =	stream.indirect_vreg.gather [hbm4b:s2+s3], $0x80, v3, vm0, $0xb8;
	[tilespmem:$0x10080] =	vst v63  }
0x9f: {  	_ = 	snop  }
0xa0: {  	[tilespmem:s1], [sflag:$0x1] =	stream.indirect_vreg.gather [hbm4b:s4+s3], $0x80, v3, vm0, $0xb8;
	[tilespmem:$0x10080] =	vst v63  }
0xa1: {  	_ = 	snop  }
0xa2: {  	[tilespmem:s10], [sflag:$0x1] =	stream.indirect_vreg.gather [hbm4b:s5+s3], $0x80, v3, vm0, $0xb8;
	[tilespmem:$0x10080] =	vst v63  }
0xa3: {  	_ = 	snop  }
0xa4: {  	[tilespmem:s11], [sflag:$0x1] =	stream.indirect_vreg.gather [hbm4b:s6+s3], $0x80, v3, vm0, $0xb8;
	[tilespmem:$0x10080] =	vst v63  }
0xa5: {  	v3 =	vld [tilespmem:$0x20];
	_ =	sdelay $0x4  }
0xa6: {  	v62 =	vshll.u32 v3, $0x3  }
0xa7: {  	v3 =	vand.u32 $0x7, v3;
	v4 =	vand.u32 $0xFFFFFFC0, v62  }
0xa8: {  	v3 =	vor.u32 v3, v4  }
0xa9: {  	v4 =	vperm.xlane v3, v0;
	_ =	sdelay $0x1  }
0xaa: {  	v4 =	vadd.s32 v1, v4;
	_ =	sdelay $0x4  }
0xab: {  	[tilespmem:s12], [sflag:$0x1] =	stream.indirect_vreg.gather [hbm4b:s2+s3], $0x80, v4, vm0, $0xb8;
	[tilespmem:$0x10080] =	vst v63  }
0xac: {  	v3 =	vperm.xlane v3, v2  }
0xad: {  	[tilespmem:s13], [sflag:$0x1] =	stream.indirect_vreg.gather [hbm4b:s4+s3], $0x80, v4, vm0, $0xb8;
	[tilespmem:$0x10080] =	vst v63  }
0xae: {  	v3 =	vadd.s32 v1, v3  }
0xaf: {  	[tilespmem:s14], [sflag:$0x1] =	stream.indirect_vreg.gather [hbm4b:s5+s3], $0x80, v4, vm0, $0xb8;
	[tilespmem:$0x10080] =	vst v63  }
0xb0: {  	_ = 	snop  }
0xb1: {  	[tilespmem:s15], [sflag:$0x1] =	stream.indirect_vreg.gather [hbm4b:s6+s3], $0x80, v4, vm0, $0xb8;
	[tilespmem:$0x10080] =	vst v63  }
0xb2: {  	_ = 	snop  }
0xb3: {  	[tilespmem:s16], [sflag:$0x1] =	stream.indirect_vreg.gather [hbm4b:s2+s3], $0x80, v3, vm0, $0xb8;
	[tilespmem:$0x10080] =	vst v63  }
0xb4: {  	_ = 	snop  }
0xb5: {  	[tilespmem:s17], [sflag:$0x1] =	stream.indirect_vreg.gather [hbm4b:s4+s3], $0x80, v3, vm0, $0xb8;
	[tilespmem:$0x10080] =	vst v63  }
0xb6: {  	_ = 	snop  }
0xb7: {  	[tilespmem:s9], [sflag:$0x1] =	stream.indirect_vreg.gather [hbm4b:s5+s3], $0x80, v3, vm0, $0xb8;
	[tilespmem:$0x10080] =	vst v63  }
0xb8: {  	s19 =	simm.s32 $0xB880  }
0xb9: {  	[tilespmem:s19], [sflag:$0x1] =	stream.indirect_vreg.gather [hbm4b:s6+s3], $0x80, v3, vm0, $0xb8;
	[tilespmem:$0x10080] =	vst v63  }
0xba: {  	v3 =	vld [tilespmem:$0x30];
	_ =	sdelay $0x4  }
0xbb: {  	v63 =	vshll.u32 v3, $0x3  }
0xbc: {  	v3 =	vand.u32 $0x7, v3;
	v4 =	vand.u32 $0xFFFFFFC0, v63  }
0xbd: {  	v3 =	vor.u32 v3, v4  }
0xbe: {  	v4 =	vperm.xlane v3, v0;
	_ =	sdelay $0x1  }
0xbf: {  	v4 =	vadd.s32 v1, v4;
	_ =	sdelay $0x3  }
0xc0: {  	s19 =	simm.s32 $0xC080  }
0xc1: {  	[tilespmem:s19], [sflag:$0x1] =	stream.indirect_vreg.gather [hbm4b:s2+s3], $0x80, v4, vm0, $0xb8;
	[tilespmem:$0x10080] =	vst v63  }
0xc2: {  	v3 =	vperm.xlane v3, v2;
	s19 =	simm.s32 $0xC880  }
0xc3: {  	[tilespmem:s19], [sflag:$0x1] =	stream.indirect_vreg.gather [hbm4b:s4+s3], $0x80, v4, vm0, $0xb8;
	[tilespmem:$0x10080] =	vst v63  }
0xc4: {  	v3 =	vadd.s32 v1, v3;
	s19 =	simm.s32 $0xD080  }
0xc5: {  	[tilespmem:s19], [sflag:$0x1] =	stream.indirect_vreg.gather [hbm4b:s5+s3], $0x80, v4, vm0, $0xb8;
	[tilespmem:$0x10080] =	vst v63  }
0xc6: {  	s19 =	simm.s32 $0xD880  }
0xc7: {  	[tilespmem:s19], [sflag:$0x1] =	stream.indirect_vreg.gather [hbm4b:s6+s3], $0x80, v4, vm0, $0xb8;
	[tilespmem:$0x10080] =	vst v63  }
0xc8: {  	s19 =	simm.s32 $0xE080  }
0xc9: {  	[tilespmem:s19], [sflag:$0x1] =	stream.indirect_vreg.gather [hbm4b:s2+s3], $0x80, v3, vm0, $0xb8;
	[tilespmem:$0x10080] =	vst v63  }
0xca: {  	s19 =	simm.s32 $0xE880  }
0xcb: {  	[tilespmem:s19], [sflag:$0x1] =	stream.indirect_vreg.gather [hbm4b:s4+s3], $0x80, v3, vm0, $0xb8;
	[tilespmem:$0x10080] =	vst v63  }
0xcc: {  	s19 =	simm.s32 $0xF080  }
0xcd: {  	[tilespmem:s19], [sflag:$0x1] =	stream.indirect_vreg.gather [hbm4b:s5+s3], $0x80, v3, vm0, $0xb8;
	[tilespmem:$0x10080] =	vst v63  }
0xce: {  	s19 =	simm.s32 $0xF880  }
0xcf: {  	[tilespmem:s19], [sflag:$0x1] =	stream.indirect_vreg.gather [hbm4b:s6+s3], $0x80, v3, vm0, $0xb8;
	[tilespmem:$0x10080] =	vst v63  }
0xd0: {  	_ =	swait.ge [sflag:s18], $0x10000  }
0xd1: {  	p0 =	sne.s32 s7, $0x1;
	[sflag:s18] =	ssyncset.done $0x0  }
.Ltmp0:
0xd2: {  	s1 =	rddreg [dreg:$0x7];
	[sflag:s18] =	ssyncadd.s32 $0xFFFF0000;
	(pc) =	sbr.rel @p0 .LBB2_1-.Ltmp0, $4  }
0xd3: {  	[hbm4b:s1+s3] =	stream.linear.scatter [tilespmem:s0], [sflag:$0x2], $0x10000, $0x38;
	[tilespmem:$0x10080] =	vst v63  }
0xd4: {  	_ =	swait.ge [sflag:s8], $0x10000  }
0xd5: {  	[sflag:s8] =	ssyncset.done $0x0  }
0xd6: {  	s7 =	sadd.s32 $0xFFFFFFFF, s7;
	[sflag:s8] =	ssyncadd.s32 $0xFFFF0000  }
0xd7: {  	_ =	sfence.sel $0x180000  }
0xd8: {  	[bflag:$0x0] =	sbarrier.arrive $0xFFFF  }
0xd9: {  	_ =	strace $0x90000047  }
0xda: {  	s0 =	stileid.u32;
	[bflag:$0x2] =	sbarrier.arrive $0xFFFF  }
0xdb: {  	p0 =	sne.s32 s0, $0x0;
	s0 =	rddreg [dreg:$0x3]  }
0xdc: {  	s0 =	sadd.s32 @!p0 $0x100000, s0  }
0xdd: {  	[sflag:s0] =	ssyncadd.tile.s32 @!p0 $0x1;
	_ =	shalt  }
.Lfunc_end2:
_tile_overlayer_lowered:
.L_overlay_start_2:
0xde: {  	(tag) =	ssettag $0x2  }
0xdf: {  	s0 =	rddreg [dreg:$0x0];
	s2 =	stileid.u32  }
0xe0: {  	s1 =	rddreg [dreg:$0x1];
	p0 =	sne.s32 s2, $0x0  }
0xe1: {  	s3 =	rddreg [dreg:$0x2];
	[bflag:$0x3] =	sbarrier.arrive $0xFFFF;
	s2 =	simm.s32 @!p0 $0x1C02  }
0xe2: {  	[timem:s3], [sflag:s2] =	dma.local @!p0 [hbm:s0], s1  }
0xe3: {  	s0 =	simm.s32 @!p0 $0x2  }
0xe4: {  	_ =	swait.ge @!p0 [sflag:s0], s1  }
0xe5: {  	s1 =	ssub.s32 @!p0 $0x0, s1;
	[sflag:s0] =	ssyncset.done @!p0 $0x0  }
0xe6: {  	[sflag:s0] =	ssyncadd.s32 @!p0 s1  }
0xe7: {  	[bflag:$0x3] =	sbarrier.arrive $0xFFFF  }
0xe8: {  	_ =	shalt  }

// kernel: kernel.9.cloned.1.call-start
scs
__scs_entry_jumppad:
0x0: {  	(pc) =	sbr.rel $0x88, $3  }
0x1: {  	(tag) =	ssettag $0x0;
	lr =	simm.s32 $0x1  }
0x2: {  	[smem:$0x3F9B] =	sst lr;
	_ =	strace $0xD0000000  }
0x3: {  	_ = 	snop  }
0x4: {  	_ = 	snop  }
0x5: {  	_ = 	snop  }
0x6: {  	_ = 	snop  }
0x7: {  	_ = 	snop  }
__scs_overlays_trampoline_lowered:
0x8: {  	[smem:$0x3FAA] =	sst s0  }
0x9: {  	[smem:$0x3FAB] =	sst s1  }
0xa: {  	[smem:$0x3FAC] =	sst s2  }
0xb: {  	[smem:$0x3FAD] =	sst s3  }
0xc: {  	[smem:$0x3FAE] =	sst s4  }
0xd: {  	[smem:$0x3FAF] =	sst s5  }
0xe: {  	[smem:$0x3FB0] =	sst s6  }
0xf: {  	[smem:$0x3FB1] =	sst s7  }
0x10: {  	[smem:$0x3FB2] =	sst s8  }
0x11: {  	[smem:$0x3FB3] =	sst s9;
	s0 =	simm.s32 @!p0 $0x0  }
0x12: {  	s1 =	sld [smem:$0x3F99];
	s0 =	simm.s32 @p0 $0x1  }
0x13: {  	[smem:$0x3FB4] =	sst s0;
	s0 =	simm.s32 @!p1 $0x0  }
0x14: {  	s2 =	sld [smem:$0x3F98];
	s0 =	simm.s32 @p1 $0x1  }
0x15: {  	[smem:$0x3FB5] =	sst s0;
	s0 =	simm.s32 @!p2 $0x0  }
0x16: {  	s3 =	sld [smem:$0x3FDB];
	s0 =	simm.s32 @p2 $0x1  }
0x17: {  	s4 =	simm.s32 $0x1BF5;
	[smem:$0x3FB7] =	sst s0  }
0x18: {  	s0 =	sld [smem:$0x3F9A];
	_ =	swait.ge [sflag:s4], $0x0  }
0x19: {  	s7 =	sld [smem:$0x3F9B]  }
0x1a: {  	s8 =	sadd.s32 $0xFFFFE003, lr  }
0x1b: {  	s9 =	sadd.s32 $0xFFFFFEF7, lr;
	s5 =	simm.s32 $0xFFFFFFFF;
	p2 =	slt.u32 s8, $0xFFFFF086  }
0x1c: {  	p1 =	slt.u32 s9, $0xF7A;
	s5 =	simm.s32 @!p2 $0x0  }
0x1d: {  	s5 =	simm.s32 @p1 $0x1;
	p0 =	seq.s32 s7, s2  }
0x1e: {  	s7 =	smul.u32 @!p0 $0xF7A, s2;
	p2 =	seq.s32 @!p0 s5, $0x0  }
0x1f: {  	s9 =	smul.u32 $0xF7A, s1;
	s8 =	simm.s32 @!p0 $0x1BF5;
	p2 =	por !p2, p0  }
0x20: {  	[sflag:s8] =	ssyncset.s32 @!p0 $0xFFFFF086;
	s6 =	sadd.s32 @!p0 s3, s7;
	s7 =	simm.s32 @!p0 $0x108  }
0x21: {  	s3 =	sadd.s32 s3, s9;
	s6 =	sadd.s32 @!p0 $0x88, s6;
	s7 =	simm.s32 @p2 $0x1082  }
0x22: {  	[simem:s7], [sflag:s8] =	dma.local @!p0 [hbm:s6], $0xF7A  }
0x23: {  	s9 =	sor.u32 $0xD0000000, s2;
	s6 =	simm.s32 $0x108;
	_ =	swait.ge @!p0 [sflag:s8], $0x0  }
0x24: {  	s3 =	sadd.s32 $0x88, s3;
	s6 =	simm.s32 @!p1 $0x1082;
	[sflag:s4] =	ssyncset.s32 $0xFFFFF086  }
0x25: {  	[simem:s6], [sflag:s4] =	dma.local [hbm:s3], $0xF7A  }
0x26: {  	[smem:$0x3F9B] =	sst s1;
	(tag) =	ssettag s2;
	_ =	strace s9  }
0x27: {  	s1 =	sld [smem:$0x3FAB]  }
0x28: {  	s2 =	sld [smem:$0x3FAC]  }
0x29: {  	s4 =	sld [smem:$0x3FAE]  }
0x2a: {  	p0 =	seq.s32 s5, $0x0;
	s5 =	sld [smem:$0x3FAF]  }
0x2b: {  	s6 =	sld [smem:$0x3FB0]  }
0x2c: {  	s7 =	sld [smem:$0x3FB1]  }
0x2d: {  	s3 =	simm.s32 $0x108;
	s8 =	sld [smem:$0x3FB2]  }
0x2e: {  	s3 =	simm.s32 @!p0 $0x1082;
	s9 =	sld [smem:$0x3FB3]  }
0x2f: {  	lr =	sadd.s32 s0, s3;
	s0 =	sld [smem:$0x3FAA]  }
0x30: {  	s3 =	sld [smem:$0x3FAD]  }
0x31: {  	[smem:$0x3FB6] =	sst s10  }
0x32: {  	s10 =	sld [smem:$0x3FB4];
	_ =	sdelay $0x3  }
0x33: {  	p0 =	seq.s32 s10, $0x1;
	s10 =	sld [smem:$0x3FB6];
	_ =	sdelay $0x3  }
0x34: {  	[smem:$0x3FB6] =	sst s10  }
0x35: {  	s10 =	sld [smem:$0x3FB5];
	_ =	sdelay $0x3  }
0x36: {  	p1 =	seq.s32 s10, $0x1;
	s10 =	sld [smem:$0x3FB6];
	_ =	sdelay $0x3  }
0x37: {  	[smem:$0x3FB6] =	sst s10  }
0x38: {  	s10 =	sld [smem:$0x3FB7]  }
0x39: {  	_ = 	snop;
	(pc) =	sbr.ind lr, $3  }
0x3a: {  	_ = 	snop  }
0x3b: {  	_ = 	snop  }
0x3c: {  	p2 =	seq.s32 s10, $0x1;
	s10 =	sld [smem:$0x3FB6]  }
0x3d: {  	_ =	shalt  }
0x3e: {  	_ =	shalt  }
0x3f: {  	_ =	shalt  }
0x40: {  	_ =	shalt  }
0x41: {  	_ =	shalt  }
0x42: {  	_ =	shalt  }
0x43: {  	_ =	shalt  }
0x44: {  	_ =	shalt  }
0x45: {  	_ =	shalt  }
0x46: {  	_ =	shalt  }
0x47: {  	_ =	shalt  }
0x48: {  	_ =	shalt  }
0x49: {  	_ =	shalt  }
0x4a: {  	_ =	shalt  }
0x4b: {  	_ =	shalt  }
0x4c: {  	_ =	shalt  }
0x4d: {  	_ =	shalt  }
0x4e: {  	_ =	shalt  }
0x4f: {  	_ =	shalt  }
0x50: {  	_ =	shalt  }
0x51: {  	_ =	shalt  }
0x52: {  	_ =	shalt  }
0x53: {  	_ =	shalt  }
0x54: {  	_ =	shalt  }
0x55: {  	_ =	shalt  }
0x56: {  	_ =	shalt  }
0x57: {  	_ =	shalt  }
0x58: {  	_ =	shalt  }
0x59: {  	_ =	shalt  }
0x5a: {  	_ =	shalt  }
0x5b: {  	_ =	shalt  }
0x5c: {  	_ =	shalt  }
0x5d: {  	_ =	shalt  }
0x5e: {  	_ =	shalt  }
0x5f: {  	_ =	shalt  }
0x60: {  	_ =	shalt  }
0x61: {  	_ =	shalt  }
0x62: {  	_ =	shalt  }
0x63: {  	_ =	shalt  }
0x64: {  	_ =	shalt  }
0x65: {  	_ =	shalt  }
0x66: {  	_ =	shalt  }
0x67: {  	_ =	shalt  }
0x68: {  	_ =	shalt  }
0x69: {  	_ =	shalt  }
0x6a: {  	_ =	shalt  }
0x6b: {  	_ =	shalt  }
0x6c: {  	_ =	shalt  }
0x6d: {  	_ =	shalt  }
0x6e: {  	_ =	shalt  }
0x6f: {  	_ =	shalt  }
0x70: {  	_ =	shalt  }
0x71: {  	_ =	shalt  }
0x72: {  	_ =	shalt  }
0x73: {  	_ =	shalt  }
0x74: {  	_ =	shalt  }
0x75: {  	_ =	shalt  }
0x76: {  	_ =	shalt  }
0x77: {  	_ =	shalt  }
0x78: {  	_ =	shalt  }
0x79: {  	_ =	shalt  }
0x7a: {  	_ =	shalt  }
0x7b: {  	_ =	shalt  }
0x7c: {  	_ =	shalt  }
0x7d: {  	_ =	shalt  }
0x7e: {  	_ =	shalt  }
0x7f: {  	_ =	shalt  }
0x80: {  	_ =	shalt  }
0x81: {  	_ =	shalt  }
0x82: {  	_ =	shalt  }
0x83: {  	_ =	shalt  }
0x84: {  	_ =	shalt  }
0x85: {  	_ =	shalt  }
0x86: {  	_ =	shalt  }
0x87: {  	_ =	shalt  }
.Lfunc_end0:
.L_simem_size_0:
called_computation.1_lowered:
.L_overlay_start_0:
0x88: {  	s2 =	sld [smem:$0x3FD9]  }
0x89: {  	s3 =	sld [smem:$0x3FFE];
	_ =	sdelay $0x1  }
0x8a: {  	s1 =	srdreg.scid  }
0x8b: {  	s0 =	sand.u32 $0x1, s1  }
0x8c: {  	s17 =	sshll.u32 s0, $0xA;
	s2 =	sadd.s32 s3, s2  }
0x8d: {  	s2 =	sadd.s32 s2, s17  }
0x8e: {  	[smem:$0x3FC2] =	sst s2  }
0x8f: {  	_ = 	snop  }
0x90: {  	s2 =	sld [smem:$0x3FD0];
	(tm) =	ssettm $0x1  }
0x91: {  	s18 =	sld [smem:$0x3FFB];
	_ =	sdelay $0x3  }
0x92: {  	_ =	strace s18  }
0x93: {  	s3 =	sld [smem:$0x3FFC];
	_ =	sdelay $0x3  }
0x94: {  	_ =	strace s3  }
0x95: {  	s3 =	sld [smem:$0x3FFD];
	_ =	sdelay $0x3  }
0x96: {  	_ =	strace s3  }
0x97: {  	_ =	strace $0x8FFFFFFF  }
0x98: {  	s19 =	sld [smem:$0x3FDB];
	_ =	sdelay $0x1  }
0x99: {  	s4 =	simm.s32 $_scs_section_size  }
0x9a: {  	s5 =	simm.s32 $_size__tile_overlayer_lowered;
	s6 =	simm.s32 $_tile_overlayer_lowered  }
0x9b: {  	s22 =	simm.s32 $0x1BFF;
	s21 =	sshll.u32 s6, $0x1;
	s3 =	sadd.s32 s4, s19  }
0x9c: {  	s7 =	simm.s32 $0x0;
	s20 =	sshll.u32 s5, $0x1;
	s5 =	sadd.s32 s21, s3  }
0x9d: {  	[timem:s7], [sflag:s22] =	dma.local [hbm:s5], s20  }
0x9e: {  	_ =	swait.ge [sflag:s22], s20  }
0x9f: {  	s4 =	ssub.s32 $0x0, s20;
	[sflag:s22] =	ssyncset.done $0x0  }
0xa0: {  	[sflag:s22] =	ssyncadd.s32 s4;
	_ =	sdelay $0x1  }
0xa1: {  	s23 =	simm.s32 $0x1B8B  }
0xa2: {  	_ =	swait.ge [sflag:s23], $0x1  }
0xa3: {  	[sflag:s23] =	ssyncset.done $0x0  }
0xa4: {  	s25 =	simm.s32 $0x1B8E;
	s24 =	sld [smem:$0x3FFE];
	[sflag:s23] =	ssyncadd.s32 $0xFFFFFFFF  }
0xa5: {  	s26 =	simm.s32 $execute0_lowered;
	[smem:$0x3FD2] =	sst s25  }
0xa6: {  	s5 =	sshll.u32 s26, $0x1;
	_ =	strace $0x80000049;
	[dreg:$0x1] =	wrdreg $0xFFFFFFFF  }
0xa7: {  	s28 =	simm.s32 $_size_execute0_lowered;
	s3 =	sadd.s32 s3, s5;
	[dreg:$0x0] =	wrdreg $0x0  }
0xa8: {  	s5 =	sshll.u32 s28, $0x1;
	[dreg:$0x2] =	wrdreg s3  }
0xa9: {  	[dreg:$0x3] =	wrdreg s5  }
0xaa: {  	[dreg:$0x4] =	wrdreg $0xC0  }
0xab: {  	_ =	task [dreg:s7], $0x5FFFF  }
0xac: {  	[dreg:$0x1] =	wrdreg $0xFFFFFFFF  }
0xad: {  	[dreg:$0x0] =	wrdreg $0x60  }
0xae: {  	[dreg:$0x2] =	wrdreg s24  }
0xaf: {  	[dreg:$0x3] =	wrdreg s2  }
0xb0: {  	[dreg:$0x4] =	wrdreg $0x9  }
0xb1: {  	_ =	task.clear_ibuf [dreg:s7], $0x5FFFF;
	_ =	strace $0x90000049  }
0xb2: {  	s29 =	simm.s32 $0x9;
	_ =	strace $0x8000004B  }
0xb3: {  	_ =	swait.ge [sflag:s29], $0x1  }
0xb4: {  	[sflag:s29] =	ssyncadd.s32 $0xFFFFFFFF  }
0xb5: {  	_ =	strace $0x9000004B  }
0xb6: {  	_ =	sfence  }
0xb7: {  	s30 =	sld [smem:$0x0];
	_ =	sdelay $0x2  }
0xb8: {  	s31 =	sshll.u32 s1, $0xD;
	s1 =	sshrl.u32 s1, $0x2  }
0xb9: {  	s3 =	sand.u32 $0x4000, s31;
	s1 =	sadd.s32 s1, s30  }
0xba: {  	s0 =	sor.u32 s3, s0;
	s1 =	sshll.u32 s1, $0x11  }
0xbb: {  	s0 =	sor.u32 s1, s0  }
0xbc: {  	s0 =	sadd.s32 $0x8F2B, s0  }
0xbd: {  	[sflag:s0] =	ssyncadd.remote.s32 $0x1  }
0xbe: {  	_ =	sfence.sel $0xFFFF  }
0xbf: {  	[dreg:$0x0] =	wrdreg $0xFFFFFFFF;
	(pc) =	sbr.abs _section_cstart, $3  }
0xc0: {  	[dreg:$0x1] =	wrdreg $0xFFFFFFFF  }
0xc1: {  	_ =	task.clear_ibuf [dreg:s7], $0x2FFFF;
	_ =	strace $0x9FFFFFFF  }
0xc2: {  	(tm) =	ssettm $0x7FFFFFFF  }
0xc3: {  	_ =	shalt  }
tec
execute0_lowered:
.L_overlay_start_1:
0x0: {  	(tag) =	ssettag $0x1  }
0x1: {  	s0 =	rddreg [dreg:$0x0]  }
0x2: {  	s1 =	rddreg [dreg:$0x1]  }
0x3: {  	s2 =	srdreg.scid;
	s4 =	stileid.u32;
	s18 =	simm.s32 $0x1  }
0x4: {  	s20 =	simm.s32 $0x880;
	s21 =	simm.s32 $0x1080;
	s28 =	simm.s32 $0x4080  }
0x5: {  	s29 =	simm.s32 $0x4880;
	s30 =	simm.s32 $0x5080;
	s31 =	simm.s32 $0x5880  }
0x6: {  	s11 =	simm.s32 $0x7880;
	s12 =	simm.s32 $0x8080;
	s13 =	simm.s32 $0x8880  }
0x7: {  	s14 =	simm.s32 $0x9080;
	s15 =	simm.s32 $0x9880;
	s16 =	simm.s32 $0xA080  }
0x8: {  	s17 =	simm.s32 $0xA880;
	s3 =	sand.u32 $0x1, s2;
	s2 =	simm.s32 $0x0  }
0x9: {  	s4 =	sshll.u32 s4, $0x8;
	s6 =	sadd.s32 $0x1000, s0;
	s5 =	sshll.u32 s3, $0x7  }
0xa: {  	[smem:$0x7FF] =	sst s2;
	s22 =	ssub.s32 $0x2, s3;
	s3 =	sadd.s32 $0x1200, s0  }
0xb: {  	s5 =	sor.u32 s5, s4;
	_ =	strace $0x8000004A;
	s7 =	sshrl.u32 s22, $0x1  }
0xc: {  	s4 =	sadd.s32 $0x1300, s0;
	s23 =	sshrl.u32 s5, $0x3;
	s7 =	ssub.s32 s22, s7  }
0xd: {  	s24 =	sshll.u32 s5, $0x7;
	s9 =	sor.u32 $0x40, s5;
	s5 =	sadd.s32 $0x1400, s0  }
0xe: {  	s22 =	simm.s32 $0x1880;
	s8 =	sadd.s32 s6, s23;
	s10 =	sshrl.u32 s9, $0x3  }
0xf: {  	s9 =	sshll.u32 s9, $0x7;
	s7 =	smax.u32 s7, $0x1;
	s23 =	simm.s32 $0x2080  }
0x10: {  	[dreg:$0x3] =	wrdreg s8;
	s8 =	sadd.s32 s1, s24;
	s25 =	sadd.s32 s6, s10  }
0x11: {  	s6 =	sadd.s32 $0x1500, s0;
	s26 =	sadd.s32 s1, s9;
	[dreg:$0x4] =	wrdreg s8  }
0x12: {  	v2 =	vlaneseq.u32;
	s0 =	simm.s32 $0x80;
	s24 =	simm.s32 $0x2880;
	[dreg:$0x5] =	wrdreg s25  }
0x13: {  	vm0 =	vmmov $0xffff;
	v1 =	vshrl.u32 v2, $0x3;
	s10 =	simm.s32 $0x7080;
	s9 =	simm.s32 $0xB080;
	[dreg:$0x6] =	wrdreg s26  }
0x14: {  	v0 =	vand.u32 $0x7, v2;
	v2 =	vor.u32 $0x8, v2;
	v1 =	vmul.u32 $0x8, v1;
	s8 =	simm.s32 $0x2;
	s25 =	simm.s32 $0x3080;
	s26 =	simm.s32 $0x3880  }
.LBB2_1:
0x15: {  	s19 =	rddreg [dreg:$0x3]  }
0x16: {  	[tilespmem:s2], [sflag:$0x2] =	stream.linear.gather [hbm4b:s19+s2], $0x40, $0x38;
	[tilespmem:$0x10080] =	vst v63  }
0x17: {  	_ =	swait.ge [sflag:s8], $0x40  }
0x18: {  	[sflag:s8] =	ssyncset.done $0x0  }
0x19: {  	[sflag:s8] =	ssyncadd.s32 $0xFFFFFFC0  }
0x1a: {  	v3 =	vld [tilespmem:$0x0];
	_ =	sdelay $0x4  }
0x1b: {  	v4 =	vshll.u32 v3, $0x3  }
0x1c: {  	v3 =	vand.u32 $0x7, v3;
	v4 =	vand.u32 $0xFFFFFFC0, v4  }
0x1d: {  	v3 =	vor.u32 v3, v4  }
0x1e: {  	v4 =	vperm.xlane v3, v0;
	_ =	sdelay $0x1  }
0x1f: {  	v4 =	vadd.s32 v1, v4;
	_ =	sdelay $0x4  }
0x20: {  	[tilespmem:s0], [sflag:$0x1] =	stream.indirect_vreg.gather [hbm4b:s3+s2], $0x80, v4, vm0, $0xb8;
	[tilespmem:$0x10080] =	vst v63  }
0x21: {  	v3 =	vperm.xlane v3, v2  }
0x22: {  	[tilespmem:s20], [sflag:$0x1] =	stream.indirect_vreg.gather [hbm4b:s4+s2], $0x80, v4, vm0, $0xb8;
	[tilespmem:$0x10080] =	vst v63  }
0x23: {  	v3 =	vadd.s32 v1, v3  }
0x24: {  	[tilespmem:s21], [sflag:$0x1] =	stream.indirect_vreg.gather [hbm4b:s5+s2], $0x80, v4, vm0, $0xb8;
	[tilespmem:$0x10080] =	vst v63  }
0x25: {  	_ = 	snop  }
0x26: {  	[tilespmem:s22], [sflag:$0x1] =	stream.indirect_vreg.gather [hbm4b:s6+s2], $0x80, v4, vm0, $0xb8;
	[tilespmem:$0x10080] =	vst v63  }
0x27: {  	_ = 	snop  }
0x28: {  	[tilespmem:s23], [sflag:$0x1] =	stream.indirect_vreg.gather [hbm4b:s3+s2], $0x80, v3, vm0, $0xb8;
	[tilespmem:$0x10080] =	vst v63  }
0x29: {  	_ = 	snop  }
0x2a: {  	[tilespmem:s24], [sflag:$0x1] =	stream.indirect_vreg.gather [hbm4b:s4+s2], $0x80, v3, vm0, $0xb8;
	[tilespmem:$0x10080] =	vst v63  }
0x2b: {  	_ = 	snop  }
0x2c: {  	[tilespmem:s25], [sflag:$0x1] =	stream.indirect_vreg.gather [hbm4b:s5+s2], $0x80, v3, vm0, $0xb8;
	[tilespmem:$0x10080] =	vst v63  }
0x2d: {  	_ = 	snop  }
0x2e: {  	[tilespmem:s26], [sflag:$0x1] =	stream.indirect_vreg.gather [hbm4b:s6+s2], $0x80, v3, vm0, $0xb8;
	[tilespmem:$0x10080] =	vst v63  }
0x2f: {  	v3 =	vld [tilespmem:$0x10];
	_ =	sdelay $0x4  }
0x30: {  	v57 =	vshll.u32 v3, $0x3  }
0x31: {  	v3 =	vand.u32 $0x7, v3;
	v4 =	vand.u32 $0xFFFFFFC0, v57  }
0x32: {  	v3 =	vor.u32 v3, v4  }
0x33: {  	v4 =	vperm.xlane v3, v0;
	_ =	sdelay $0x1  }
0x34: {  	v4 =	vadd.s32 v1, v4;
	_ =	sdelay $0x4  }
0x35: {  	[tilespmem:s28], [sflag:$0x1] =	stream.indirect_vreg.gather [hbm4b:s3+s2], $0x80, v4, vm0, $0xb8;
	[tilespmem:$0x10080] =	vst v63  }
0x36: {  	v3 =	vperm.xlane v3, v2  }
0x37: {  	[tilespmem:s29], [sflag:$0x1] =	stream.indirect_vreg.gather [hbm4b:s4+s2], $0x80, v4, vm0, $0xb8;
	[tilespmem:$0x10080] =	vst v63  }
0x38: {  	v3 =	vadd.s32 v1, v3  }
0x39: {  	[tilespmem:s30], [sflag:$0x1] =	stream.indirect_vreg.gather [hbm4b:s5+s2], $0x80, v4, vm0, $0xb8;
	[tilespmem:$0x10080] =	vst v63  }
0x3a: {  	_ = 	snop  }
0x3b: {  	[tilespmem:s31], [sflag:$0x1] =	stream.indirect_vreg.gather [hbm4b:s6+s2], $0x80, v4, vm0, $0xb8;
	[tilespmem:$0x10080] =	vst v63  }
0x3c: {  	s1 =	simm.s32 $0x6080  }
0x3d: {  	[tilespmem:s1], [sflag:$0x1] =	stream.indirect_vreg.gather [hbm4b:s3+s2], $0x80, v3, vm0, $0xb8;
	[tilespmem:$0x10080] =	vst v63  }
0x3e: {  	s1 =	simm.s32 $0x6880  }
0x3f: {  	[tilespmem:s1], [sflag:$0x1] =	stream.indirect_vreg.gather [hbm4b:s4+s2], $0x80, v3, vm0, $0xb8;
	[tilespmem:$0x10080] =	vst v63  }
0x40: {  	_ = 	snop  }
0x41: {  	[tilespmem:s10], [sflag:$0x1] =	stream.indirect_vreg.gather [hbm4b:s5+s2], $0x80, v3, vm0, $0xb8;
	[tilespmem:$0x10080] =	vst v63  }
0x42: {  	_ = 	snop  }
0x43: {  	[tilespmem:s11], [sflag:$0x1] =	stream.indirect_vreg.gather [hbm4b:s6+s2], $0x80, v3, vm0, $0xb8;
	[tilespmem:$0x10080] =	vst v63  }
0x44: {  	v3 =	vld [tilespmem:$0x20];
	_ =	sdelay $0x4  }
0x45: {  	v58 =	vshll.u32 v3, $0x3  }
0x46: {  	v3 =	vand.u32 $0x7, v3;
	v4 =	vand.u32 $0xFFFFFFC0, v58  }
0x47: {  	v3 =	vor.u32 v3, v4  }
0x48: {  	v4 =	vperm.xlane v3, v0;
	_ =	sdelay $0x1  }
0x49: {  	v4 =	vadd.s32 v1, v4;
	_ =	sdelay $0x4  }
0x4a: {  	[tilespmem:s12], [sflag:$0x1] =	stream.indirect_vreg.gather [hbm4b:s3+s2], $0x80, v4, vm0, $0xb8;
	[tilespmem:$0x10080] =	vst v63  }
0x4b: {  	v3 =	vperm.xlane v3, v2  }
0x4c: {  	[tilespmem:s13], [sflag:$0x1] =	stream.indirect_vreg.gather [hbm4b:s4+s2], $0x80, v4, vm0, $0xb8;
	[tilespmem:$0x10080] =	vst v63  }
0x4d: {  	v3 =	vadd.s32 v1, v3  }
0x4e: {  	[tilespmem:s14], [sflag:$0x1] =	stream.indirect_vreg.gather [hbm4b:s5+s2], $0x80, v4, vm0, $0xb8;
	[tilespmem:$0x10080] =	vst v63  }
0x4f: {  	_ = 	snop  }
0x50: {  	[tilespmem:s15], [sflag:$0x1] =	stream.indirect_vreg.gather [hbm4b:s6+s2], $0x80, v4, vm0, $0xb8;
	[tilespmem:$0x10080] =	vst v63  }
0x51: {  	_ = 	snop  }
0x52: {  	[tilespmem:s16], [sflag:$0x1] =	stream.indirect_vreg.gather [hbm4b:s3+s2], $0x80, v3, vm0, $0xb8;
	[tilespmem:$0x10080] =	vst v63  }
0x53: {  	_ = 	snop  }
0x54: {  	[tilespmem:s17], [sflag:$0x1] =	stream.indirect_vreg.gather [hbm4b:s4+s2], $0x80, v3, vm0, $0xb8;
	[tilespmem:$0x10080] =	vst v63  }
0x55: {  	_ = 	snop  }
0x56: {  	[tilespmem:s9], [sflag:$0x1] =	stream.indirect_vreg.gather [hbm4b:s5+s2], $0x80, v3, vm0, $0xb8;
	[tilespmem:$0x10080] =	vst v63  }
0x57: {  	s19 =	simm.s32 $0xB880  }
0x58: {  	[tilespmem:s19], [sflag:$0x1] =	stream.indirect_vreg.gather [hbm4b:s6+s2], $0x80, v3, vm0, $0xb8;
	[tilespmem:$0x10080] =	vst v63  }
0x59: {  	v3 =	vld [tilespmem:$0x30];
	_ =	sdelay $0x4  }
0x5a: {  	v59 =	vshll.u32 v3, $0x3  }
0x5b: {  	v3 =	vand.u32 $0x7, v3;
	v4 =	vand.u32 $0xFFFFFFC0, v59  }
0x5c: {  	v3 =	vor.u32 v3, v4  }
0x5d: {  	v4 =	vperm.xlane v3, v0;
	_ =	sdelay $0x1  }
0x5e: {  	v4 =	vadd.s32 v1, v4;
	_ =	sdelay $0x3  }
0x5f: {  	s19 =	simm.s32 $0xC080  }
0x60: {  	[tilespmem:s19], [sflag:$0x1] =	stream.indirect_vreg.gather [hbm4b:s3+s2], $0x80, v4, vm0, $0xb8;
	[tilespmem:$0x10080] =	vst v63  }
0x61: {  	v3 =	vperm.xlane v3, v2;
	s19 =	simm.s32 $0xC880  }
0x62: {  	[tilespmem:s19], [sflag:$0x1] =	stream.indirect_vreg.gather [hbm4b:s4+s2], $0x80, v4, vm0, $0xb8;
	[tilespmem:$0x10080] =	vst v63  }
0x63: {  	v3 =	vadd.s32 v1, v3;
	s19 =	simm.s32 $0xD080  }
0x64: {  	[tilespmem:s19], [sflag:$0x1] =	stream.indirect_vreg.gather [hbm4b:s5+s2], $0x80, v4, vm0, $0xb8;
	[tilespmem:$0x10080] =	vst v63  }
0x65: {  	s19 =	simm.s32 $0xD880  }
0x66: {  	[tilespmem:s19], [sflag:$0x1] =	stream.indirect_vreg.gather [hbm4b:s6+s2], $0x80, v4, vm0, $0xb8;
	[tilespmem:$0x10080] =	vst v63  }
0x67: {  	s19 =	simm.s32 $0xE080  }
0x68: {  	[tilespmem:s19], [sflag:$0x1] =	stream.indirect_vreg.gather [hbm4b:s3+s2], $0x80, v3, vm0, $0xb8;
	[tilespmem:$0x10080] =	vst v63  }
0x69: {  	s19 =	simm.s32 $0xE880  }
0x6a: {  	[tilespmem:s19], [sflag:$0x1] =	stream.indirect_vreg.gather [hbm4b:s4+s2], $0x80, v3, vm0, $0xb8;
	[tilespmem:$0x10080] =	vst v63  }
0x6b: {  	s19 =	simm.s32 $0xF080  }
0x6c: {  	[tilespmem:s19], [sflag:$0x1] =	stream.indirect_vreg.gather [hbm4b:s5+s2], $0x80, v3, vm0, $0xb8;
	[tilespmem:$0x10080] =	vst v63  }
0x6d: {  	s19 =	simm.s32 $0xF880  }
0x6e: {  	[tilespmem:s19], [sflag:$0x1] =	stream.indirect_vreg.gather [hbm4b:s6+s2], $0x80, v3, vm0, $0xb8;
	[tilespmem:$0x10080] =	vst v63  }
0x6f: {  	_ =	swait.ge [sflag:s18], $0x10000  }
0x70: {  	[sflag:s18] =	ssyncset.done $0x0  }
0x71: {  	s19 =	rddreg [dreg:$0x4];
	[sflag:s18] =	ssyncadd.s32 $0xFFFF0000  }
0x72: {  	[hbm4b:s19+s2] =	stream.linear.scatter [tilespmem:s0], [sflag:$0x2], $0x10000, $0x38;
	[tilespmem:$0x10080] =	vst v63  }
0x73: {  	_ =	swait.ge [sflag:s8], $0x10000  }
0x74: {  	[sflag:s8] =	ssyncset.done $0x0  }
0x75: {  	s19 =	rddreg [dreg:$0x5];
	[sflag:s8] =	ssyncadd.s32 $0xFFFF0000  }
0x76: {  	[tilespmem:s2], [sflag:$0x2] =	stream.linear.gather [hbm4b:s19+s2], $0x40, $0x38;
	[tilespmem:$0x10080] =	vst v63  }
0x77: {  	_ =	swait.ge [sflag:s8], $0x40  }
0x78: {  	[sflag:s8] =	ssyncset.done $0x0  }
0x79: {  	[sflag:s8] =	ssyncadd.s32 $0xFFFFFFC0  }
0x7a: {  	v3 =	vld [tilespmem:$0x0];
	_ =	sdelay $0x4  }
0x7b: {  	v60 =	vshll.u32 v3, $0x3  }
0x7c: {  	v3 =	vand.u32 $0x7, v3;
	v4 =	vand.u32 $0xFFFFFFC0, v60  }
0x7d: {  	v3 =	vor.u32 v3, v4  }
0x7e: {  	v4 =	vperm.xlane v3, v0;
	_ =	sdelay $0x1  }
0x7f: {  	v4 =	vadd.s32 v1, v4;
	_ =	sdelay $0x4  }
0x80: {  	[tilespmem:s0], [sflag:$0x1] =	stream.indirect_vreg.gather [hbm4b:s3+s2], $0x80, v4, vm0, $0xb8;
	[tilespmem:$0x10080] =	vst v63  }
0x81: {  	v3 =	vperm.xlane v3, v2  }
0x82: {  	[tilespmem:s20], [sflag:$0x1] =	stream.indirect_vreg.gather [hbm4b:s4+s2], $0x80, v4, vm0, $0xb8;
	[tilespmem:$0x10080] =	vst v63  }
0x83: {  	v3 =	vadd.s32 v1, v3  }
0x84: {  	[tilespmem:s21], [sflag:$0x1] =	stream.indirect_vreg.gather [hbm4b:s5+s2], $0x80, v4, vm0, $0xb8;
	[tilespmem:$0x10080] =	vst v63  }
0x85: {  	_ = 	snop  }
0x86: {  	[tilespmem:s22], [sflag:$0x1] =	stream.indirect_vreg.gather [hbm4b:s6+s2], $0x80, v4, vm0, $0xb8;
	[tilespmem:$0x10080] =	vst v63  }
0x87: {  	_ = 	snop  }
0x88: {  	[tilespmem:s23], [sflag:$0x1] =	stream.indirect_vreg.gather [hbm4b:s3+s2], $0x80, v3, vm0, $0xb8;
	[tilespmem:$0x10080] =	vst v63  }
0x89: {  	_ = 	snop  }
0x8a: {  	[tilespmem:s24], [sflag:$0x1] =	stream.indirect_vreg.gather [hbm4b:s4+s2], $0x80, v3, vm0, $0xb8;
	[tilespmem:$0x10080] =	vst v63  }
0x8b: {  	_ = 	snop  }
0x8c: {  	[tilespmem:s25], [sflag:$0x1] =	stream.indirect_vreg.gather [hbm4b:s5+s2], $0x80, v3, vm0, $0xb8;
	[tilespmem:$0x10080] =	vst v63  }
0x8d: {  	_ = 	snop  }
0x8e: {  	[tilespmem:s26], [sflag:$0x1] =	stream.indirect_vreg.gather [hbm4b:s6+s2], $0x80, v3, vm0, $0xb8;
	[tilespmem:$0x10080] =	vst v63  }
0x8f: {  	v3 =	vld [tilespmem:$0x10];
	_ =	sdelay $0x4  }
0x90: {  	v61 =	vshll.u32 v3, $0x3  }
0x91: {  	v3 =	vand.u32 $0x7, v3;
	v4 =	vand.u32 $0xFFFFFFC0, v61  }
0x92: {  	v3 =	vor.u32 v3, v4  }
0x93: {  	v4 =	vperm.xlane v3, v0;
	_ =	sdelay $0x1  }
0x94: {  	v4 =	vadd.s32 v1, v4;
	_ =	sdelay $0x4  }
0x95: {  	[tilespmem:s28], [sflag:$0x1] =	stream.indirect_vreg.gather [hbm4b:s3+s2], $0x80, v4, vm0, $0xb8;
	[tilespmem:$0x10080] =	vst v63  }
0x96: {  	v3 =	vperm.xlane v3, v2  }
0x97: {  	[tilespmem:s29], [sflag:$0x1] =	stream.indirect_vreg.gather [hbm4b:s4+s2], $0x80, v4, vm0, $0xb8;
	[tilespmem:$0x10080] =	vst v63  }
0x98: {  	v3 =	vadd.s32 v1, v3  }
0x99: {  	[tilespmem:s30], [sflag:$0x1] =	stream.indirect_vreg.gather [hbm4b:s5+s2], $0x80, v4, vm0, $0xb8;
	[tilespmem:$0x10080] =	vst v63  }
0x9a: {  	_ = 	snop  }
0x9b: {  	[tilespmem:s31], [sflag:$0x1] =	stream.indirect_vreg.gather [hbm4b:s6+s2], $0x80, v4, vm0, $0xb8;
	[tilespmem:$0x10080] =	vst v63  }
0x9c: {  	s19 =	simm.s32 $0x6080  }
0x9d: {  	[tilespmem:s19], [sflag:$0x1] =	stream.indirect_vreg.gather [hbm4b:s3+s2], $0x80, v3, vm0, $0xb8;
	[tilespmem:$0x10080] =	vst v63  }
0x9e: {  	_ = 	snop  }
0x9f: {  	[tilespmem:s1], [sflag:$0x1] =	stream.indirect_vreg.gather [hbm4b:s4+s2], $0x80, v3, vm0, $0xb8;
	[tilespmem:$0x10080] =	vst v63  }
0xa0: {  	_ = 	snop  }
0xa1: {  	[tilespmem:s10], [sflag:$0x1] =	stream.indirect_vreg.gather [hbm4b:s5+s2], $0x80, v3, vm0, $0xb8;
	[tilespmem:$0x10080] =	vst v63  }
0xa2: {  	_ = 	snop  }
0xa3: {  	[tilespmem:s11], [sflag:$0x1] =	stream.indirect_vreg.gather [hbm4b:s6+s2], $0x80, v3, vm0, $0xb8;
	[tilespmem:$0x10080] =	vst v63  }
0xa4: {  	v3 =	vld [tilespmem:$0x20];
	_ =	sdelay $0x4  }
0xa5: {  	v62 =	vshll.u32 v3, $0x3  }
0xa6: {  	v3 =	vand.u32 $0x7, v3;
	v4 =	vand.u32 $0xFFFFFFC0, v62  }
0xa7: {  	v3 =	vor.u32 v3, v4  }
0xa8: {  	v4 =	vperm.xlane v3, v0;
	_ =	sdelay $0x1  }
0xa9: {  	v4 =	vadd.s32 v1, v4;
	_ =	sdelay $0x4  }
0xaa: {  	[tilespmem:s12], [sflag:$0x1] =	stream.indirect_vreg.gather [hbm4b:s3+s2], $0x80, v4, vm0, $0xb8;
	[tilespmem:$0x10080] =	vst v63  }
0xab: {  	v3 =	vperm.xlane v3, v2  }
0xac: {  	[tilespmem:s13], [sflag:$0x1] =	stream.indirect_vreg.gather [hbm4b:s4+s2], $0x80, v4, vm0, $0xb8;
	[tilespmem:$0x10080] =	vst v63  }
0xad: {  	v3 =	vadd.s32 v1, v3  }
0xae: {  	[tilespmem:s14], [sflag:$0x1] =	stream.indirect_vreg.gather [hbm4b:s5+s2], $0x80, v4, vm0, $0xb8;
	[tilespmem:$0x10080] =	vst v63  }
0xaf: {  	_ = 	snop  }
0xb0: {  	[tilespmem:s15], [sflag:$0x1] =	stream.indirect_vreg.gather [hbm4b:s6+s2], $0x80, v4, vm0, $0xb8;
	[tilespmem:$0x10080] =	vst v63  }
0xb1: {  	_ = 	snop  }
0xb2: {  	[tilespmem:s16], [sflag:$0x1] =	stream.indirect_vreg.gather [hbm4b:s3+s2], $0x80, v3, vm0, $0xb8;
	[tilespmem:$0x10080] =	vst v63  }
0xb3: {  	_ = 	snop  }
0xb4: {  	[tilespmem:s17], [sflag:$0x1] =	stream.indirect_vreg.gather [hbm4b:s4+s2], $0x80, v3, vm0, $0xb8;
	[tilespmem:$0x10080] =	vst v63  }
0xb5: {  	_ = 	snop  }
0xb6: {  	[tilespmem:s9], [sflag:$0x1] =	stream.indirect_vreg.gather [hbm4b:s5+s2], $0x80, v3, vm0, $0xb8;
	[tilespmem:$0x10080] =	vst v63  }
0xb7: {  	s19 =	simm.s32 $0xB880  }
0xb8: {  	[tilespmem:s19], [sflag:$0x1] =	stream.indirect_vreg.gather [hbm4b:s6+s2], $0x80, v3, vm0, $0xb8;
	[tilespmem:$0x10080] =	vst v63  }
0xb9: {  	v3 =	vld [tilespmem:$0x30];
	_ =	sdelay $0x4  }
0xba: {  	v63 =	vshll.u32 v3, $0x3  }
0xbb: {  	v3 =	vand.u32 $0x7, v3;
	v4 =	vand.u32 $0xFFFFFFC0, v63  }
0xbc: {  	v3 =	vor.u32 v3, v4  }
0xbd: {  	v4 =	vperm.xlane v3, v0;
	_ =	sdelay $0x1  }
0xbe: {  	v4 =	vadd.s32 v1, v4;
	_ =	sdelay $0x3  }
0xbf: {  	s19 =	simm.s32 $0xC080  }
0xc0: {  	[tilespmem:s19], [sflag:$0x1] =	stream.indirect_vreg.gather [hbm4b:s3+s2], $0x80, v4, vm0, $0xb8;
	[tilespmem:$0x10080] =	vst v63  }
0xc1: {  	v3 =	vperm.xlane v3, v2;
	s19 =	simm.s32 $0xC880  }
0xc2: {  	[tilespmem:s19], [sflag:$0x1] =	stream.indirect_vreg.gather [hbm4b:s4+s2], $0x80, v4, vm0, $0xb8;
	[tilespmem:$0x10080] =	vst v63  }
0xc3: {  	v3 =	vadd.s32 v1, v3;
	s19 =	simm.s32 $0xD080  }
0xc4: {  	[tilespmem:s19], [sflag:$0x1] =	stream.indirect_vreg.gather [hbm4b:s5+s2], $0x80, v4, vm0, $0xb8;
	[tilespmem:$0x10080] =	vst v63  }
0xc5: {  	s19 =	simm.s32 $0xD880  }
0xc6: {  	[tilespmem:s19], [sflag:$0x1] =	stream.indirect_vreg.gather [hbm4b:s6+s2], $0x80, v4, vm0, $0xb8;
	[tilespmem:$0x10080] =	vst v63  }
0xc7: {  	s19 =	simm.s32 $0xE080  }
0xc8: {  	[tilespmem:s19], [sflag:$0x1] =	stream.indirect_vreg.gather [hbm4b:s3+s2], $0x80, v3, vm0, $0xb8;
	[tilespmem:$0x10080] =	vst v63  }
0xc9: {  	s19 =	simm.s32 $0xE880  }
0xca: {  	[tilespmem:s19], [sflag:$0x1] =	stream.indirect_vreg.gather [hbm4b:s4+s2], $0x80, v3, vm0, $0xb8;
	[tilespmem:$0x10080] =	vst v63  }
0xcb: {  	s19 =	simm.s32 $0xF080  }
0xcc: {  	[tilespmem:s19], [sflag:$0x1] =	stream.indirect_vreg.gather [hbm4b:s5+s2], $0x80, v3, vm0, $0xb8;
	[tilespmem:$0x10080] =	vst v63  }
0xcd: {  	s19 =	simm.s32 $0xF880  }
0xce: {  	[tilespmem:s19], [sflag:$0x1] =	stream.indirect_vreg.gather [hbm4b:s6+s2], $0x80, v3, vm0, $0xb8;
	[tilespmem:$0x10080] =	vst v63  }
0xcf: {  	_ =	swait.ge [sflag:s18], $0x10000  }
0xd0: {  	p0 =	sne.s32 s7, $0x1;
	[sflag:s18] =	ssyncset.done $0x0  }
.Ltmp0:
0xd1: {  	s1 =	rddreg [dreg:$0x6];
	[sflag:s18] =	ssyncadd.s32 $0xFFFF0000;
	(pc) =	sbr.rel @p0 .LBB2_1-.Ltmp0, $4  }
0xd2: {  	[hbm4b:s1+s2] =	stream.linear.scatter [tilespmem:s0], [sflag:$0x2], $0x10000, $0x38;
	[tilespmem:$0x10080] =	vst v63  }
0xd3: {  	_ =	swait.ge [sflag:s8], $0x10000  }
0xd4: {  	[sflag:s8] =	ssyncset.done $0x0  }
0xd5: {  	s7 =	sadd.s32 $0xFFFFFFFF, s7;
	[sflag:s8] =	ssyncadd.s32 $0xFFFF0000  }
0xd6: {  	_ =	sfence.sel $0x180000  }
0xd7: {  	[bflag:$0x0] =	sbarrier.arrive $0xFFFF  }
0xd8: {  	_ =	strace $0x9000004A  }
0xd9: {  	s0 =	stileid.u32;
	[bflag:$0x2] =	sbarrier.arrive $0xFFFF  }
0xda: {  	p0 =	sne.s32 s0, $0x0;
	s0 =	rddreg [dreg:$0x2]  }
0xdb: {  	s0 =	sadd.s32 @!p0 $0x100000, s0  }
0xdc: {  	[sflag:s0] =	ssyncadd.tile.s32 @!p0 $0x1;
	_ =	shalt  }
.Lfunc_end2:
_tile_overlayer_lowered:
.L_overlay_start_2:
0xdd: {  	(tag) =	ssettag $0x2  }
0xde: {  	s0 =	rddreg [dreg:$0x0];
	s2 =	stileid.u32  }
0xdf: {  	s1 =	rddreg [dreg:$0x1];
	p0 =	sne.s32 s2, $0x0  }
0xe0: {  	s3 =	rddreg [dreg:$0x2];
	[bflag:$0x3] =	sbarrier.arrive $0xFFFF;
	s2 =	simm.s32 @!p0 $0x1C02  }
0xe1: {  	[timem:s3], [sflag:s2] =	dma.local @!p0 [hbm:s0], s1  }
0xe2: {  	s0 =	simm.s32 @!p0 $0x2  }
0xe3: {  	_ =	swait.ge @!p0 [sflag:s0], s1  }
0xe4: {  	s1 =	ssub.s32 @!p0 $0x0, s1;
	[sflag:s0] =	ssyncset.done @!p0 $0x0  }
0xe5: {  	[sflag:s0] =	ssyncadd.s32 @!p0 s1  }
0xe6: {  	[bflag:$0x3] =	sbarrier.arrive $0xFFFF  }
0xe7: {  	_ =	shalt  }

</sc_bundles>
